<compile_context>
chip_gen: v7x
topology: tpu7x:2x2x1
jax: 0.10.2.dev20260603
libtpu: 0.0.44.dev20260713+nightly
codegen_flags: <defaults>
</compile_context>

<pallas_src>
import jax
import jax.numpy as jnp
from jax import lax
from jax.experimental import pallas as pl
from jax.experimental.pallas import tpu as pltpu
from jax.experimental.pallas import tpu_sc as plsc

N = 65536
NNZ = 4194304
D = 64
L = 16
NC = 2
NS = 16
NCHUNKS = D // L
NPASS = NCHUNKS // NC

CHUNK = 1024
IDXROW = 128
NROWS = CHUNK // IDXROW
TILE_NNZ = NNZ // NS
NITER = TILE_NNZ // CHUNK
ROWS_PER_TILE = N // NS

GSETS = 2
ISETS = 4


def _body(xc, cols2, rows2, vals, out,
          cb0, cb1, cb2, cb3, rb0, rb1, rb2, rb3, vb0, vb1, vb2, vb3,
          gb0, gb1, acc,
          sl0, sl1, sl2, sl3, sg0, sg1, ss0, ss1):
    c = lax.axis_index("c")
    s = lax.axis_index("s")

    cbuf = [cb0, cb1, cb2, cb3]
    rbuf = [rb0, rb1, rb2, rb3]
    vbuf = [vb0, vb1, vb2, vb3]
    gbuf = [gb0, gb1]
    sem_ld = [sl0, sl1, sl2, sl3]
    sem_g = [sg0, sg1]
    sem_sc = [ss0, ss1]

    def loads_fire(k, i4):
        base = pl.multiple_of(s * TILE_NNZ + k * CHUNK, CHUNK)
        brow = pl.multiple_of(base // IDXROW, 8)
        pltpu.async_copy(cols2.at[pl.ds(brow, NROWS)], cbuf[i4], sem_ld[i4])
        pltpu.async_copy(rows2.at[pl.ds(brow, NROWS)], rbuf[i4], sem_ld[i4])
        pltpu.async_copy(vals.at[pl.ds(base, CHUNK)], vbuf[i4], sem_ld[i4])

    def loads_wait(i4):
        pltpu.make_async_copy(cols2.at[pl.ds(0, NROWS)], cbuf[i4], sem_ld[i4]).wait()
        pltpu.make_async_copy(rows2.at[pl.ds(0, NROWS)], rbuf[i4], sem_ld[i4]).wait()
        pltpu.make_async_copy(vals.at[pl.ds(0, CHUNK)], vbuf[i4], sem_ld[i4]).wait()

    def gathers_fire(j, g, i4):
        for r in range(NROWS):
            pltpu.async_copy(xc.at[j].at[cbuf[i4].at[r]],
                             gbuf[g].at[pl.ds(r * IDXROW, IDXROW)], sem_g[g])

    def gathers_wait(j, g, i4):
        for r in range(NROWS):
            pltpu.make_async_copy(xc.at[j].at[cbuf[i4].at[r]],
                                  gbuf[g].at[pl.ds(r * IDXROW, IDXROW)],
                                  sem_g[g]).wait()

    def scatters_fire(g, i4):
        for r in range(NROWS):
            pltpu.async_copy(gbuf[g].at[pl.ds(r * IDXROW, IDXROW)],
                             acc.at[rbuf[i4].at[r]], sem_sc[g], add=True)

    def scatters_wait(g, i4):
        for r in range(NROWS):
            pltpu.make_async_copy(gbuf[g].at[pl.ds(r * IDXROW, IDXROW)],
                                  acc.at[rbuf[i4].at[r]], sem_sc[g]).wait()

    def scale(g, i4):
        def body(m, _):
            vv = vbuf[i4][pl.ds(m * L, L)]
            for q in range(L):
                gbuf[g][m * L + q] = gbuf[g][m * L + q] * vv[q]
            return 0
        lax.fori_loop(0, CHUNK // L, body, 0)

    for p in range(NPASS):
        j = p * NC + c

        def zfill(k, _):
            gb0[k] = jnp.zeros((L,), jnp.float32)
            return 0
        lax.fori_loop(0, CHUNK, zfill, 0)
        for z in range(ROWS_PER_TILE // CHUNK):
            pltpu.sync_copy(gb0, acc.at[pl.ds(s * ROWS_PER_TILE + z * CHUNK, CHUNK)])
        plsc.subcore_barrier()

        for k0 in range(3):
            loads_fire(k0, k0)
        loads_wait(0)

        @pl.loop(0, NITER, step=GSETS * ISETS // 2)
        def _(i):
            for d in range(GSETS * ISETS // 2):
                k = i + d
                g = d % GSETS
                gn = (d + 1) % GSETS
                i4 = d % ISETS
                i4n = (d + 1) % ISETS
                i4p = (d + 3) % ISETS


                @pl.when(k + 3 < NITER)
                def _():
                    loads_fire(k + 3, i4p)

                @pl.when(k + 1 < NITER)
                def _():
                    loads_wait(i4n)

        plsc.subcore_barrier()

        pltpu.sync_copy(acc.at[pl.ds(s * ROWS_PER_TILE, ROWS_PER_TILE)],
                        out.at[j].at[pl.ds(s * ROWS_PER_TILE, ROWS_PER_TILE)])


@jax.jit
def _unpool(xc, cols2, rows2, vals):
    mesh = plsc.VectorSubcoreMesh(core_axis_name="c", subcore_axis_name="s",
                                  num_cores=NC, num_subcores=NS)
    k = pl.kernel(
        _body,
        out_type=jax.ShapeDtypeStruct((NCHUNKS, N, L), jnp.float32),
        mesh=mesh,
        compiler_params=pltpu.CompilerParams(use_tc_tiling_on_sc=False),
        scratch_types=(
            [pltpu.VMEM((NROWS, IDXROW), jnp.int32)] * ISETS
            + [pltpu.VMEM((NROWS, IDXROW), jnp.int32)] * ISETS
            + [pltpu.VMEM((CHUNK,), jnp.float32)] * ISETS
            + [pltpu.VMEM((CHUNK, L), jnp.float32)] * GSETS
            + [pltpu.VMEM_SHARED((N, L), jnp.float32)]
            + [pltpu.SemaphoreType.DMA] * (ISETS + 2 * GSETS)
        ),
    )
    return k(xc, cols2, rows2, vals)


def kernel(x, unpool_rows, unpool_cols, unpool_vals):
    xc = x.reshape(N, NCHUNKS, L).transpose(1, 0, 2)
    cols2 = unpool_cols.reshape(NNZ // IDXROW, IDXROW)
    rows2 = unpool_rows.reshape(NNZ // IDXROW, IDXROW)
    out4 = _unpool(xc, cols2, rows2, unpool_vals)
    return out4.transpose(1, 0, 2).reshape(N, D)

# --- scband reference (transcript-rebuilt; emitter-appended) ---
"""Pipeline reference for scband-sparse-mesh-unpool-3719441678808 (READ-ONLY COPY).

The authoritative reference and input builder live on the scoring server;
editing this copy changes nothing except your own understanding.
"""

import jax, jax.numpy as jnp
import numpy as np

N = 65536
NNZ = 4194304
D = 64

def setup_inputs(seed: int = 0) -> dict:
    key = jax.random.key(seed)
    k1, k2, k3, k4 = jax.random.split(key, 4)
    x = jax.random.normal(k1, (N, D), dtype=jnp.float32)
    unpool_rows = jax.random.randint(k2, (NNZ,), 0, N, dtype=jnp.int64) if jax.config.jax_enable_x64 else jax.random.randint(k2, (NNZ,), 0, N).astype(jnp.int32)
    unpool_cols = jax.random.randint(k3, (NNZ,), 0, N, dtype=jnp.int64) if jax.config.jax_enable_x64 else jax.random.randint(k3, (NNZ,), 0, N).astype(jnp.int32)
    unpool_vals = jax.random.uniform(k4, (NNZ,), dtype=jnp.float32)
    return {"x": x, "unpool_rows": unpool_rows, "unpool_cols": unpool_cols, "unpool_vals": unpool_vals}

def reference(x, unpool_rows, unpool_cols, unpool_vals):
    # torch.sparse.mm(unpool_map, x) with unpool_map in COO form [N, N]:
    # out[r] += vals * x[c] for each nonzero (r, c, vals)
    gathered = jnp.take(x, unpool_cols, axis=0)           # gather rows of x by column index
    contrib = unpool_vals[:, None] * gathered             # scale by nonzero values
    out = jax.ops.segment_sum(contrib, unpool_rows, num_segments=N)  # scatter-add into output rows
    return out

if __name__ == "__main__":
    import jax
    _d = setup_inputs()
    print(jax.jit(kernel)(*tuple(_d.values())))

</pallas_src>

<mosaic_0001>
#map = affine_map<(d0, d1) -> (0, 0, 0)>
#map1 = affine_map<(d0, d1) -> (0, 0)>
#map2 = affine_map<(d0, d1) -> (0)>
module attributes {stable_mosaic.version = 14 : i64} {
  func.func @_body(%arg0: i32, %arg1: i32, %arg2: memref<4x65536x16xf32, #tpu.memory_space<hbm>>, %arg3: memref<32768x128xi32, #tpu.memory_space<hbm>>, %arg4: memref<32768x128xi32, #tpu.memory_space<hbm>>, %arg5: memref<4194304xf32, #tpu.memory_space<hbm>>, %arg6: memref<4x65536x16xf32, #tpu.memory_space<hbm>>, %arg7: memref<8x128xi32, #tpu.memory_space<vmem>>, %arg8: memref<8x128xi32, #tpu.memory_space<vmem>>, %arg9: memref<8x128xi32, #tpu.memory_space<vmem>>, %arg10: memref<8x128xi32, #tpu.memory_space<vmem>>, %arg11: memref<8x128xi32, #tpu.memory_space<vmem>>, %arg12: memref<8x128xi32, #tpu.memory_space<vmem>>, %arg13: memref<8x128xi32, #tpu.memory_space<vmem>>, %arg14: memref<8x128xi32, #tpu.memory_space<vmem>>, %arg15: memref<1024xf32, #tpu.memory_space<vmem>>, %arg16: memref<1024xf32, #tpu.memory_space<vmem>>, %arg17: memref<1024xf32, #tpu.memory_space<vmem>>, %arg18: memref<1024xf32, #tpu.memory_space<vmem>>, %arg19: memref<1024x16xf32, #tpu.memory_space<vmem>>, %arg20: memref<1024x16xf32, #tpu.memory_space<vmem>>, %arg21: memref<65536x16xf32, #tpu.memory_space<vmem_shared>>, %arg22: memref<!tpu.dma_semaphore, #tpu.memory_space<semaphore_mem>>, %arg23: memref<!tpu.dma_semaphore, #tpu.memory_space<semaphore_mem>>, %arg24: memref<!tpu.dma_semaphore, #tpu.memory_space<semaphore_mem>>, %arg25: memref<!tpu.dma_semaphore, #tpu.memory_space<semaphore_mem>>, %arg26: memref<!tpu.dma_semaphore, #tpu.memory_space<semaphore_mem>>, %arg27: memref<!tpu.dma_semaphore, #tpu.memory_space<semaphore_mem>>, %arg28: memref<!tpu.dma_semaphore, #tpu.memory_space<semaphore_mem>>, %arg29: memref<!tpu.dma_semaphore, #tpu.memory_space<semaphore_mem>>) attributes {dimension_semantics = [#tpu.dimension_semantics<core_parallel>, #tpu.dimension_semantics<subcore_parallel>], iteration_bounds = array<i64: 2, 16>, scalar_prefetch = 0 : i64, scratch_operands = 23 : i64, tpu.core_type = #tpu.core_type<sc_vector_subcore>, window_params = [{transform_indices = #map}, {transform_indices = #map1}, {transform_indices = #map1}, {transform_indices = #map2}, {transform_indices = #map}]} {
    %add3A = arith.constant 0 : i32
    %add3A_0 = arith.addi %add3A, %arg0 : i32
    %scan3A = arith.constant 0 : i32
    %scan3A_1 = arith.constant 0 : i32
    %scan3A_2 = arith.constant 1024 : i32
    %scan3A_3 = arith.addi %scan3A_1, %scan3A_2 : i32
    %scan3A_4 = arith.constant 1 : i32
    %scan3A_5 = scf.for %scan3A_329 = %scan3A_1 to %scan3A_3 step %scan3A_4 iter_args(%scan3A_330 = %scan3A) -> (i32)  : i32 {
      %broadcast_in_dim3A = arith.constant 0.000000e+00 : f32
      %broadcast_in_dim3A_331 = vector.broadcast %broadcast_in_dim3A : f32 to vector<16xf32>
      %swap3A = arith.index_cast %scan3A_329 : i32 to index
      %swap3A_332 = arith.constant 0 : index
      %swap3A_333 = tpu.vector_load %arg19[%swap3A, %swap3A_332] {strides = array<i32>} : memref<1024x16xf32, #tpu.memory_space<vmem>>, vector<1x16xf32>,
      %swap3A_334 = vector.shape_cast %swap3A_333 : vector<1x16xf32> to vector<16xf32>
      %swap3A_335 = vector.shape_cast %broadcast_in_dim3A_331 : vector<16xf32> to vector<1x16xf32>
      tpu.vector_store %arg19[%swap3A, %swap3A_332], %swap3A_335 {strides = array<i32>} : memref<1024x16xf32, #tpu.memory_space<vmem>>, vector<1x16xf32>,
      %scan3A_336 = arith.constant 0 : i32
      scf.yield %scan3A_336 : i32
    }
    %scan3A_6 = arith.constant 1024 : i32
    %mul3A = arith.constant 4096 : i32
    %mul3A_7 = arith.muli %arg1, %mul3A : i32
    %add3A_8 = arith.constant 0 : i32
    %add3A_9 = arith.addi %mul3A_7, %add3A_8 : i32
    "tpu.region"() ({
      %run_scoped3A = tpu.sem_alloc : memref<!tpu.dma_semaphore, #tpu.memory_space<semaphore_mem>>
      %dma_start3A_329 = arith.constant 0 : i32
      %dma_start3A_330 = tpu.memref_slice %arg21[%add3A_9, %dma_start3A_329] : memref<65536x16xf32, #tpu.memory_space<vmem_shared>> -> memref<1024x16xf32, #tpu.memory_space<vmem_shared>>
      %dma_start3A_331 = arith.constant 0 : i32
      %dma_start3A_332 = tpu.memref_slice %arg21[%add3A_9, %dma_start3A_331] : memref<65536x16xf32, #tpu.memory_space<vmem_shared>> -> memref<1024x16xf32, #tpu.memory_space<vmem_shared>>
      tpu.enqueue_dma source(%arg19 : memref<1024x16xf32, #tpu.memory_space<vmem>>) target(%dma_start3A_332 : memref<1024x16xf32, #tpu.memory_space<vmem_shared>>) target_semaphore(%run_scoped3A : memref<!tpu.dma_semaphore, #tpu.memory_space<semaphore_mem>>)
      %dma_wait3A_333 = arith.constant 0 : i32
      %dma_wait3A_334 = tpu.memref_slice %arg21[%add3A_9, %dma_wait3A_333] : memref<65536x16xf32, #tpu.memory_space<vmem_shared>> -> memref<1024x16xf32, #tpu.memory_space<vmem_shared>>
      %dma_wait3A_335 = arith.constant 0 : i32
      %dma_wait3A_336 = tpu.memref_slice %arg21[%add3A_9, %dma_wait3A_335] : memref<65536x16xf32, #tpu.memory_space<vmem_shared>> -> memref<1024x16xf32, #tpu.memory_space<vmem_shared>>
      tpu.wait_dma2 semaphore(%run_scoped3A : memref<!tpu.dma_semaphore, #tpu.memory_space<semaphore_mem>>) src(%arg19 : memref<1024x16xf32, #tpu.memory_space<vmem>>) dst(%dma_wait3A_336 : memref<1024x16xf32, #tpu.memory_space<vmem_shared>>)
      tpu.yield
    }) : () -> ()
    %mul3A_10 = arith.constant 4096 : i32
    %mul3A_11 = arith.muli %arg1, %mul3A_10 : i32
    %add3A_12 = arith.constant 1024 : i32
    %add3A_13 = arith.addi %mul3A_11, %add3A_12 : i32
    "tpu.region"() ({
      %run_scoped3A = tpu.sem_alloc : memref<!tpu.dma_semaphore, #tpu.memory_space<semaphore_mem>>
      %dma_start3A_329 = arith.constant 0 : i32
      %dma_start3A_330 = tpu.memref_slice %arg21[%add3A_13, %dma_start3A_329] : memref<65536x16xf32, #tpu.memory_space<vmem_shared>> -> memref<1024x16xf32, #tpu.memory_space<vmem_shared>>
      %dma_start3A_331 = arith.constant 0 : i32
      %dma_start3A_332 = tpu.memref_slice %arg21[%add3A_13, %dma_start3A_331] : memref<65536x16xf32, #tpu.memory_space<vmem_shared>> -> memref<1024x16xf32, #tpu.memory_space<vmem_shared>>
      tpu.enqueue_dma source(%arg19 : memref<1024x16xf32, #tpu.memory_space<vmem>>) target(%dma_start3A_332 : memref<1024x16xf32, #tpu.memory_space<vmem_shared>>) target_semaphore(%run_scoped3A : memref<!tpu.dma_semaphore, #tpu.memory_space<semaphore_mem>>)
      %dma_wait3A_333 = arith.constant 0 : i32
      %dma_wait3A_334 = tpu.memref_slice %arg21[%add3A_13, %dma_wait3A_333] : memref<65536x16xf32, #tpu.memory_space<vmem_shared>> -> memref<1024x16xf32, #tpu.memory_space<vmem_shared>>
      %dma_wait3A_335 = arith.constant 0 : i32
      %dma_wait3A_336 = tpu.memref_slice %arg21[%add3A_13, %dma_wait3A_335] : memref<65536x16xf32, #tpu.memory_space<vmem_shared>> -> memref<1024x16xf32, #tpu.memory_space<vmem_shared>>
      tpu.wait_dma2 semaphore(%run_scoped3A : memref<!tpu.dma_semaphore, #tpu.memory_space<semaphore_mem>>) src(%arg19 : memref<1024x16xf32, #tpu.memory_space<vmem>>) dst(%dma_wait3A_336 : memref<1024x16xf32, #tpu.memory_space<vmem_shared>>)
      tpu.yield
    }) : () -> ()
    %mul3A_14 = arith.constant 4096 : i32
    %mul3A_15 = arith.muli %arg1, %mul3A_14 : i32
    %add3A_16 = arith.constant 2048 : i32
    %add3A_17 = arith.addi %mul3A_15, %add3A_16 : i32
    "tpu.region"() ({
      %run_scoped3A = tpu.sem_alloc : memref<!tpu.dma_semaphore, #tpu.memory_space<semaphore_mem>>
      %dma_start3A_329 = arith.constant 0 : i32
      %dma_start3A_330 = tpu.memref_slice %arg21[%add3A_17, %dma_start3A_329] : memref<65536x16xf32, #tpu.memory_space<vmem_shared>> -> memref<1024x16xf32, #tpu.memory_space<vmem_shared>>
      %dma_start3A_331 = arith.constant 0 : i32
      %dma_start3A_332 = tpu.memref_slice %arg21[%add3A_17, %dma_start3A_331] : memref<65536x16xf32, #tpu.memory_space<vmem_shared>> -> memref<1024x16xf32, #tpu.memory_space<vmem_shared>>
      tpu.enqueue_dma source(%arg19 : memref<1024x16xf32, #tpu.memory_space<vmem>>) target(%dma_start3A_332 : memref<1024x16xf32, #tpu.memory_space<vmem_shared>>) target_semaphore(%run_scoped3A : memref<!tpu.dma_semaphore, #tpu.memory_space<semaphore_mem>>)
      %dma_wait3A_333 = arith.constant 0 : i32
      %dma_wait3A_334 = tpu.memref_slice %arg21[%add3A_17, %dma_wait3A_333] : memref<65536x16xf32, #tpu.memory_space<vmem_shared>> -> memref<1024x16xf32, #tpu.memory_space<vmem_shared>>
      %dma_wait3A_335 = arith.constant 0 : i32
      %dma_wait3A_336 = tpu.memref_slice %arg21[%add3A_17, %dma_wait3A_335] : memref<65536x16xf32, #tpu.memory_space<vmem_shared>> -> memref<1024x16xf32, #tpu.memory_space<vmem_shared>>
      tpu.wait_dma2 semaphore(%run_scoped3A : memref<!tpu.dma_semaphore, #tpu.memory_space<semaphore_mem>>) src(%arg19 : memref<1024x16xf32, #tpu.memory_space<vmem>>) dst(%dma_wait3A_336 : memref<1024x16xf32, #tpu.memory_space<vmem_shared>>)
      tpu.yield
    }) : () -> ()
    %mul3A_18 = arith.constant 4096 : i32
    %mul3A_19 = arith.muli %arg1, %mul3A_18 : i32
    %add3A_20 = arith.constant 3072 : i32
    %add3A_21 = arith.addi %mul3A_19, %add3A_20 : i32
    "tpu.region"() ({
      %run_scoped3A = tpu.sem_alloc : memref<!tpu.dma_semaphore, #tpu.memory_space<semaphore_mem>>
      %dma_start3A_329 = arith.constant 0 : i32
      %dma_start3A_330 = tpu.memref_slice %arg21[%add3A_21, %dma_start3A_329] : memref<65536x16xf32, #tpu.memory_space<vmem_shared>> -> memref<1024x16xf32, #tpu.memory_space<vmem_shared>>
      %dma_start3A_331 = arith.constant 0 : i32
      %dma_start3A_332 = tpu.memref_slice %arg21[%add3A_21, %dma_start3A_331] : memref<65536x16xf32, #tpu.memory_space<vmem_shared>> -> memref<1024x16xf32, #tpu.memory_space<vmem_shared>>
      tpu.enqueue_dma source(%arg19 : memref<1024x16xf32, #tpu.memory_space<vmem>>) target(%dma_start3A_332 : memref<1024x16xf32, #tpu.memory_space<vmem_shared>>) target_semaphore(%run_scoped3A : memref<!tpu.dma_semaphore, #tpu.memory_space<semaphore_mem>>)
      %dma_wait3A_333 = arith.constant 0 : i32
      %dma_wait3A_334 = tpu.memref_slice %arg21[%add3A_21, %dma_wait3A_333] : memref<65536x16xf32, #tpu.memory_space<vmem_shared>> -> memref<1024x16xf32, #tpu.memory_space<vmem_shared>>
      %dma_wait3A_335 = arith.constant 0 : i32
      %dma_wait3A_336 = tpu.memref_slice %arg21[%add3A_21, %dma_wait3A_335] : memref<65536x16xf32, #tpu.memory_space<vmem_shared>> -> memref<1024x16xf32, #tpu.memory_space<vmem_shared>>
      tpu.wait_dma2 semaphore(%run_scoped3A : memref<!tpu.dma_semaphore, #tpu.memory_space<semaphore_mem>>) src(%arg19 : memref<1024x16xf32, #tpu.memory_space<vmem>>) dst(%dma_wait3A_336 : memref<1024x16xf32, #tpu.memory_space<vmem_shared>>)
      tpu.yield
    }) : () -> ()
    %barrier3A = arith.constant 0 : index
    tpu.barrier barrier_id(%barrier3A)
    %mul3A_22 = arith.constant 262144 : i32
    %mul3A_23 = arith.muli %arg1, %mul3A_22 : i32
    %add3A_24 = arith.constant 0 : i32
    %add3A_25 = arith.addi %mul3A_23, %add3A_24 : i32
    %multiple_of3A = tpu.assume_multiple %add3A_25, 1024 : i32
    %jit3A = arith.constant 128 : i32
    %div3A = arith.divsi %multiple_of3A, %jit3A : i32
    %sign3A = arith.constant 0 : i32
    %sign3A_26 = arith.cmpi sgt, %multiple_of3A, %sign3A : i32
    %sign3A_27 = arith.extui %sign3A_26 : i1 to i32
    %sign3A_28 = arith.constant 0 : i32
    %sign3A_29 = arith.cmpi slt, %multiple_of3A, %sign3A_28 : i32
    %sign3A_30 = arith.extui %sign3A_29 : i1 to i32
    %sign3A_31 = arith.subi %sign3A_27, %sign3A_30 : i32
    %sign3A_32 = arith.constant 0 : i32
    %sign3A_33 = arith.cmpi sgt, %jit3A, %sign3A_32 : i32
    %sign3A_34 = arith.extui %sign3A_33 : i1 to i32
    %sign3A_35 = arith.constant 0 : i32
    %sign3A_36 = arith.cmpi slt, %jit3A, %sign3A_35 : i32
    %sign3A_37 = arith.extui %sign3A_36 : i1 to i32
    %sign3A_38 = arith.subi %sign3A_34, %sign3A_37 : i32
    %ne3A = arith.cmpi ne, %sign3A_31, %sign3A_38 : i32
    %rem3A = arith.remsi %multiple_of3A, %jit3A : i32
    %ne3A_39 = arith.constant 0 : i32
    %ne3A_40 = arith.cmpi ne, %rem3A, %ne3A_39 : i32
    %and3A = arith.andi %ne3A, %ne3A_40 : i1
    %sub3A = arith.constant 1 : i32
    %sub3A_41 = arith.subi %div3A, %sub3A : i32
    %select_n3A = arith.select %and3A, %sub3A_41, %div3A : i32
    %multiple_of3A_42 = tpu.assume_multiple %select_n3A, 8 : i32
    %dma_start3A = arith.constant 0 : i32
    %dma_start3A_43 = tpu.memref_slice %arg3[%multiple_of3A_42, %dma_start3A] : memref<32768x128xi32, #tpu.memory_space<hbm>> -> memref<8x128xi32, #tpu.memory_space<hbm>>
    %dma_start3A_44 = arith.constant 0 : i32
    %dma_start3A_45 = tpu.memref_slice %arg3[%multiple_of3A_42, %dma_start3A_44] : memref<32768x128xi32, #tpu.memory_space<hbm>> -> memref<8x128xi32, #tpu.memory_space<hbm>>
    tpu.enqueue_dma source(%dma_start3A_45 : memref<8x128xi32, #tpu.memory_space<hbm>>) target(%arg7 : memref<8x128xi32, #tpu.memory_space<vmem>>) target_semaphore(%arg22 : memref<!tpu.dma_semaphore, #tpu.memory_space<semaphore_mem>>)
    %dma_start3A_46 = arith.constant 0 : i32
    %dma_start3A_47 = tpu.memref_slice %arg4[%multiple_of3A_42, %dma_start3A_46] : memref<32768x128xi32, #tpu.memory_space<hbm>> -> memref<8x128xi32, #tpu.memory_space<hbm>>
    %dma_start3A_48 = arith.constant 0 : i32
    %dma_start3A_49 = tpu.memref_slice %arg4[%multiple_of3A_42, %dma_start3A_48] : memref<32768x128xi32, #tpu.memory_space<hbm>> -> memref<8x128xi32, #tpu.memory_space<hbm>>
    tpu.enqueue_dma source(%dma_start3A_49 : memref<8x128xi32, #tpu.memory_space<hbm>>) target(%arg11 : memref<8x128xi32, #tpu.memory_space<vmem>>) target_semaphore(%arg22 : memref<!tpu.dma_semaphore, #tpu.memory_space<semaphore_mem>>)
    %dma_start3A_50 = tpu.memref_slice %arg5[%multiple_of3A] : memref<4194304xf32, #tpu.memory_space<hbm>> -> memref<1024xf32, #tpu.memory_space<hbm>>
    %dma_start3A_51 = tpu.memref_slice %arg5[%multiple_of3A] : memref<4194304xf32, #tpu.memory_space<hbm>> -> memref<1024xf32, #tpu.memory_space<hbm>>
    tpu.enqueue_dma source(%dma_start3A_51 : memref<1024xf32, #tpu.memory_space<hbm>>) target(%arg15 : memref<1024xf32, #tpu.memory_space<vmem>>) target_semaphore(%arg22 : memref<!tpu.dma_semaphore, #tpu.memory_space<semaphore_mem>>)
    %mul3A_52 = arith.constant 262144 : i32
    %mul3A_53 = arith.muli %arg1, %mul3A_52 : i32
    %add3A_54 = arith.constant 1024 : i32
    %add3A_55 = arith.addi %mul3A_53, %add3A_54 : i32
    %multiple_of3A_56 = tpu.assume_multiple %add3A_55, 1024 : i32
    %jit3A_57 = arith.constant 128 : i32
    %div3A_58 = arith.divsi %multiple_of3A_56, %jit3A_57 : i32
    %sign3A_59 = arith.constant 0 : i32
    %sign3A_60 = arith.cmpi sgt, %multiple_of3A_56, %sign3A_59 : i32
    %sign3A_61 = arith.extui %sign3A_60 : i1 to i32
    %sign3A_62 = arith.constant 0 : i32
    %sign3A_63 = arith.cmpi slt, %multiple_of3A_56, %sign3A_62 : i32
    %sign3A_64 = arith.extui %sign3A_63 : i1 to i32
    %sign3A_65 = arith.subi %sign3A_61, %sign3A_64 : i32
    %sign3A_66 = arith.constant 0 : i32
    %sign3A_67 = arith.cmpi sgt, %jit3A_57, %sign3A_66 : i32
    %sign3A_68 = arith.extui %sign3A_67 : i1 to i32
    %sign3A_69 = arith.constant 0 : i32
    %sign3A_70 = arith.cmpi slt, %jit3A_57, %sign3A_69 : i32
    %sign3A_71 = arith.extui %sign3A_70 : i1 to i32
    %sign3A_72 = arith.subi %sign3A_68, %sign3A_71 : i32
    %ne3A_73 = arith.cmpi ne, %sign3A_65, %sign3A_72 : i32
    %rem3A_74 = arith.remsi %multiple_of3A_56, %jit3A_57 : i32
    %ne3A_75 = arith.constant 0 : i32
    %ne3A_76 = arith.cmpi ne, %rem3A_74, %ne3A_75 : i32
    %and3A_77 = arith.andi %ne3A_73, %ne3A_76 : i1
    %sub3A_78 = arith.constant 1 : i32
    %sub3A_79 = arith.subi %div3A_58, %sub3A_78 : i32
    %select_n3A_80 = arith.select %and3A_77, %sub3A_79, %div3A_58 : i32
    %multiple_of3A_81 = tpu.assume_multiple %select_n3A_80, 8 : i32
    %dma_start3A_82 = arith.constant 0 : i32
    %dma_start3A_83 = tpu.memref_slice %arg3[%multiple_of3A_81, %dma_start3A_82] : memref<32768x128xi32, #tpu.memory_space<hbm>> -> memref<8x128xi32, #tpu.memory_space<hbm>>
    %dma_start3A_84 = arith.constant 0 : i32
    %dma_start3A_85 = tpu.memref_slice %arg3[%multiple_of3A_81, %dma_start3A_84] : memref<32768x128xi32, #tpu.memory_space<hbm>> -> memref<8x128xi32, #tpu.memory_space<hbm>>
    tpu.enqueue_dma source(%dma_start3A_85 : memref<8x128xi32, #tpu.memory_space<hbm>>) target(%arg8 : memref<8x128xi32, #tpu.memory_space<vmem>>) target_semaphore(%arg23 : memref<!tpu.dma_semaphore, #tpu.memory_space<semaphore_mem>>)
    %dma_start3A_86 = arith.constant 0 : i32
    %dma_start3A_87 = tpu.memref_slice %arg4[%multiple_of3A_81, %dma_start3A_86] : memref<32768x128xi32, #tpu.memory_space<hbm>> -> memref<8x128xi32, #tpu.memory_space<hbm>>
    %dma_start3A_88 = arith.constant 0 : i32
    %dma_start3A_89 = tpu.memref_slice %arg4[%multiple_of3A_81, %dma_start3A_88] : memref<32768x128xi32, #tpu.memory_space<hbm>> -> memref<8x128xi32, #tpu.memory_space<hbm>>
    tpu.enqueue_dma source(%dma_start3A_89 : memref<8x128xi32, #tpu.memory_space<hbm>>) target(%arg12 : memref<8x128xi32, #tpu.memory_space<vmem>>) target_semaphore(%arg23 : memref<!tpu.dma_semaphore, #tpu.memory_space<semaphore_mem>>)
    %dma_start3A_90 = tpu.memref_slice %arg5[%multiple_of3A_56] : memref<4194304xf32, #tpu.memory_space<hbm>> -> memref<1024xf32, #tpu.memory_space<hbm>>
    %dma_start3A_91 = tpu.memref_slice %arg5[%multiple_of3A_56] : memref<4194304xf32, #tpu.memory_space<hbm>> -> memref<1024xf32, #tpu.memory_space<hbm>>
    tpu.enqueue_dma source(%dma_start3A_91 : memref<1024xf32, #tpu.memory_space<hbm>>) target(%arg16 : memref<1024xf32, #tpu.memory_space<vmem>>) target_semaphore(%arg23 : memref<!tpu.dma_semaphore, #tpu.memory_space<semaphore_mem>>)
    %mul3A_92 = arith.constant 262144 : i32
    %mul3A_93 = arith.muli %arg1, %mul3A_92 : i32
    %add3A_94 = arith.constant 2048 : i32
    %add3A_95 = arith.addi %mul3A_93, %add3A_94 : i32
    %multiple_of3A_96 = tpu.assume_multiple %add3A_95, 1024 : i32
    %jit3A_97 = arith.constant 128 : i32
    %div3A_98 = arith.divsi %multiple_of3A_96, %jit3A_97 : i32
    %sign3A_99 = arith.constant 0 : i32
    %sign3A_100 = arith.cmpi sgt, %multiple_of3A_96, %sign3A_99 : i32
    %sign3A_101 = arith.extui %sign3A_100 : i1 to i32
    %sign3A_102 = arith.constant 0 : i32
    %sign3A_103 = arith.cmpi slt, %multiple_of3A_96, %sign3A_102 : i32
    %sign3A_104 = arith.extui %sign3A_103 : i1 to i32
    %sign3A_105 = arith.subi %sign3A_101, %sign3A_104 : i32
    %sign3A_106 = arith.constant 0 : i32
    %sign3A_107 = arith.cmpi sgt, %jit3A_97, %sign3A_106 : i32
    %sign3A_108 = arith.extui %sign3A_107 : i1 to i32
    %sign3A_109 = arith.constant 0 : i32
    %sign3A_110 = arith.cmpi slt, %jit3A_97, %sign3A_109 : i32
    %sign3A_111 = arith.extui %sign3A_110 : i1 to i32
    %sign3A_112 = arith.subi %sign3A_108, %sign3A_111 : i32
    %ne3A_113 = arith.cmpi ne, %sign3A_105, %sign3A_112 : i32
    %rem3A_114 = arith.remsi %multiple_of3A_96, %jit3A_97 : i32
    %ne3A_115 = arith.constant 0 : i32
    %ne3A_116 = arith.cmpi ne, %rem3A_114, %ne3A_115 : i32
    %and3A_117 = arith.andi %ne3A_113, %ne3A_116 : i1
    %sub3A_118 = arith.constant 1 : i32
    %sub3A_119 = arith.subi %div3A_98, %sub3A_118 : i32
    %select_n3A_120 = arith.select %and3A_117, %sub3A_119, %div3A_98 : i32
    %multiple_of3A_121 = tpu.assume_multiple %select_n3A_120, 8 : i32
    %dma_start3A_122 = arith.constant 0 : i32
    %dma_start3A_123 = tpu.memref_slice %arg3[%multiple_of3A_121, %dma_start3A_122] : memref<32768x128xi32, #tpu.memory_space<hbm>> -> memref<8x128xi32, #tpu.memory_space<hbm>>
    %dma_start3A_124 = arith.constant 0 : i32
    %dma_start3A_125 = tpu.memref_slice %arg3[%multiple_of3A_121, %dma_start3A_124] : memref<32768x128xi32, #tpu.memory_space<hbm>> -> memref<8x128xi32, #tpu.memory_space<hbm>>
    tpu.enqueue_dma source(%dma_start3A_125 : memref<8x128xi32, #tpu.memory_space<hbm>>) target(%arg9 : memref<8x128xi32, #tpu.memory_space<vmem>>) target_semaphore(%arg24 : memref<!tpu.dma_semaphore, #tpu.memory_space<semaphore_mem>>)
    %dma_start3A_126 = arith.constant 0 : i32
    %dma_start3A_127 = tpu.memref_slice %arg4[%multiple_of3A_121, %dma_start3A_126] : memref<32768x128xi32, #tpu.memory_space<hbm>> -> memref<8x128xi32, #tpu.memory_space<hbm>>
    %dma_start3A_128 = arith.constant 0 : i32
    %dma_start3A_129 = tpu.memref_slice %arg4[%multiple_of3A_121, %dma_start3A_128] : memref<32768x128xi32, #tpu.memory_space<hbm>> -> memref<8x128xi32, #tpu.memory_space<hbm>>
    tpu.enqueue_dma source(%dma_start3A_129 : memref<8x128xi32, #tpu.memory_space<hbm>>) target(%arg13 : memref<8x128xi32, #tpu.memory_space<vmem>>) target_semaphore(%arg24 : memref<!tpu.dma_semaphore, #tpu.memory_space<semaphore_mem>>)
    %dma_start3A_130 = tpu.memref_slice %arg5[%multiple_of3A_96] : memref<4194304xf32, #tpu.memory_space<hbm>> -> memref<1024xf32, #tpu.memory_space<hbm>>
    %dma_start3A_131 = tpu.memref_slice %arg5[%multiple_of3A_96] : memref<4194304xf32, #tpu.memory_space<hbm>> -> memref<1024xf32, #tpu.memory_space<hbm>>
    tpu.enqueue_dma source(%dma_start3A_131 : memref<1024xf32, #tpu.memory_space<hbm>>) target(%arg17 : memref<1024xf32, #tpu.memory_space<vmem>>) target_semaphore(%arg24 : memref<!tpu.dma_semaphore, #tpu.memory_space<semaphore_mem>>)
    %dma_wait3A = arith.constant 0 : i32
    %dma_wait3A_132 = arith.constant 0 : i32
    %dma_wait3A_133 = tpu.memref_slice %arg3[%dma_wait3A, %dma_wait3A_132] : memref<32768x128xi32, #tpu.memory_space<hbm>> -> memref<8x128xi32, #tpu.memory_space<hbm>>
    %dma_wait3A_134 = arith.constant 0 : i32
    %dma_wait3A_135 = arith.constant 0 : i32
    %dma_wait3A_136 = tpu.memref_slice %arg3[%dma_wait3A_134, %dma_wait3A_135] : memref<32768x128xi32, #tpu.memory_space<hbm>> -> memref<8x128xi32, #tpu.memory_space<hbm>>
    tpu.wait_dma2 semaphore(%arg22 : memref<!tpu.dma_semaphore, #tpu.memory_space<semaphore_mem>>) src(%dma_wait3A_136 : memref<8x128xi32, #tpu.memory_space<hbm>>) dst(%arg7 : memref<8x128xi32, #tpu.memory_space<vmem>>)
    %dma_wait3A_137 = arith.constant 0 : i32
    %dma_wait3A_138 = arith.constant 0 : i32
    %dma_wait3A_139 = tpu.memref_slice %arg4[%dma_wait3A_137, %dma_wait3A_138] : memref<32768x128xi32, #tpu.memory_space<hbm>> -> memref<8x128xi32, #tpu.memory_space<hbm>>
    %dma_wait3A_140 = arith.constant 0 : i32
    %dma_wait3A_141 = arith.constant 0 : i32
    %dma_wait3A_142 = tpu.memref_slice %arg4[%dma_wait3A_140, %dma_wait3A_141] : memref<32768x128xi32, #tpu.memory_space<hbm>> -> memref<8x128xi32, #tpu.memory_space<hbm>>
    tpu.wait_dma2 semaphore(%arg22 : memref<!tpu.dma_semaphore, #tpu.memory_space<semaphore_mem>>) src(%dma_wait3A_142 : memref<8x128xi32, #tpu.memory_space<hbm>>) dst(%arg11 : memref<8x128xi32, #tpu.memory_space<vmem>>)
    %dma_wait3A_143 = arith.constant 0 : i32
    %dma_wait3A_144 = tpu.memref_slice %arg5[%dma_wait3A_143] : memref<4194304xf32, #tpu.memory_space<hbm>> -> memref<1024xf32, #tpu.memory_space<hbm>>
    %dma_wait3A_145 = arith.constant 0 : i32
    %dma_wait3A_146 = tpu.memref_slice %arg5[%dma_wait3A_145] : memref<4194304xf32, #tpu.memory_space<hbm>> -> memref<1024xf32, #tpu.memory_space<hbm>>
    tpu.wait_dma2 semaphore(%arg22 : memref<!tpu.dma_semaphore, #tpu.memory_space<semaphore_mem>>) src(%dma_wait3A_146 : memref<1024xf32, #tpu.memory_space<hbm>>) dst(%arg15 : memref<1024xf32, #tpu.memory_space<vmem>>)
    %scan3A_147 = arith.constant 0 : i32
    %scan3A_148 = arith.constant 64 : i32
    %scan3A_149 = arith.addi %scan3A_147, %scan3A_148 : i32
    %scan3A_150 = arith.constant 1 : i32
    scf.for %scan3A_329 = %scan3A_147 to %scan3A_149 step %scan3A_150  : i32 {
      %mul3A_330 = arith.constant 4 : i32
      %mul3A_331 = arith.muli %scan3A_329, %mul3A_330 : i32
      %add3A_332 = arith.constant 0 : i32
      %add3A_333 = arith.addi %add3A_332, %mul3A_331 : i32
      %add3A_334 = arith.constant 0 : i32
      %add3A_335 = arith.addi %add3A_333, %add3A_334 : i32
      %add3A_336 = arith.constant 3 : i32
      %add3A_337 = arith.addi %add3A_335, %add3A_336 : i32
      %lt3A = arith.constant 256 : i32
      %lt3A_338 = arith.cmpi slt, %add3A_337, %lt3A : i32
      %convert_element_type3A = arith.extui %lt3A_338 : i1 to i32
      %cond3A = arith.constant 0 : i32
      %cond3A_339 = arith.cmpi ne, %convert_element_type3A, %cond3A : i32
      scf.if %cond3A_339 {
        %add3A_395 = arith.constant 3 : i32
        %add3A_396 = arith.addi %add3A_335, %add3A_395 : i32
        %mul3A_397 = arith.constant 262144 : i32
        %mul3A_398 = arith.muli %arg1, %mul3A_397 : i32
        %mul3A_399 = arith.constant 1024 : i32
        %mul3A_400 = arith.muli %add3A_396, %mul3A_399 : i32
        %add3A_401 = arith.addi %mul3A_398, %mul3A_400 : i32
        %multiple_of3A_402 = tpu.assume_multiple %add3A_401, 1024 : i32
        %jit3A_403 = arith.constant 128 : i32
        %div3A_404 = arith.divsi %multiple_of3A_402, %jit3A_403 : i32
        %sign3A_405 = arith.constant 0 : i32
        %sign3A_406 = arith.cmpi sgt, %multiple_of3A_402, %sign3A_405 : i32
        %sign3A_407 = arith.extui %sign3A_406 : i1 to i32
        %sign3A_408 = arith.constant 0 : i32
        %sign3A_409 = arith.cmpi slt, %multiple_of3A_402, %sign3A_408 : i32
        %sign3A_410 = arith.extui %sign3A_409 : i1 to i32
        %sign3A_411 = arith.subi %sign3A_407, %sign3A_410 : i32
        %sign3A_412 = arith.constant 0 : i32
        %sign3A_413 = arith.cmpi sgt, %jit3A_403, %sign3A_412 : i32
        %sign3A_414 = arith.extui %sign3A_413 : i1 to i32
        %sign3A_415 = arith.constant 0 : i32
        %sign3A_416 = arith.cmpi slt, %jit3A_403, %sign3A_415 : i32
        %sign3A_417 = arith.extui %sign3A_416 : i1 to i32
        %sign3A_418 = arith.subi %sign3A_414, %sign3A_417 : i32
        %ne3A_419 = arith.cmpi ne, %sign3A_411, %sign3A_418 : i32
        %rem3A_420 = arith.remsi %multiple_of3A_402, %jit3A_403 : i32
        %ne3A_421 = arith.constant 0 : i32
        %ne3A_422 = arith.cmpi ne, %rem3A_420, %ne3A_421 : i32
        %and3A_423 = arith.andi %ne3A_419, %ne3A_422 : i1
        %sub3A_424 = arith.constant 1 : i32
        %sub3A_425 = arith.subi %div3A_404, %sub3A_424 : i32
        %select_n3A_426 = arith.select %and3A_423, %sub3A_425, %div3A_404 : i32
        %multiple_of3A_427 = tpu.assume_multiple %select_n3A_426, 8 : i32
        %dma_start3A_428 = arith.constant 0 : i32
        %dma_start3A_429 = tpu.memref_slice %arg3[%multiple_of3A_427, %dma_start3A_428] : memref<32768x128xi32, #tpu.memory_space<hbm>> -> memref<8x128xi32, #tpu.memory_space<hbm>>
        %dma_start3A_430 = arith.constant 0 : i32
        %dma_start3A_431 = tpu.memref_slice %arg3[%multiple_of3A_427, %dma_start3A_430] : memref<32768x128xi32, #tpu.memory_space<hbm>> -> memref<8x128xi32, #tpu.memory_space<hbm>>
        tpu.enqueue_dma source(%dma_start3A_431 : memref<8x128xi32, #tpu.memory_space<hbm>>) target(%arg10 : memref<8x128xi32, #tpu.memory_space<vmem>>) target_semaphore(%arg25 : memref<!tpu.dma_semaphore, #tpu.memory_space<semaphore_mem>>)
        %dma_start3A_432 = arith.constant 0 : i32
        %dma_start3A_433 = tpu.memref_slice %arg4[%multiple_of3A_427, %dma_start3A_432] : memref<32768x128xi32, #tpu.memory_space<hbm>> -> memref<8x128xi32, #tpu.memory_space<hbm>>
        %dma_start3A_434 = arith.constant 0 : i32
        %dma_start3A_435 = tpu.memref_slice %arg4[%multiple_of3A_427, %dma_start3A_434] : memref<32768x128xi32, #tpu.memory_space<hbm>> -> memref<8x128xi32, #tpu.memory_space<hbm>>
        tpu.enqueue_dma source(%dma_start3A_435 : memref<8x128xi32, #tpu.memory_space<hbm>>) target(%arg14 : memref<8x128xi32, #tpu.memory_space<vmem>>) target_semaphore(%arg25 : memref<!tpu.dma_semaphore, #tpu.memory_space<semaphore_mem>>)
        %dma_start3A_436 = tpu.memref_slice %arg5[%multiple_of3A_402] : memref<4194304xf32, #tpu.memory_space<hbm>> -> memref<1024xf32, #tpu.memory_space<hbm>>
        %dma_start3A_437 = tpu.memref_slice %arg5[%multiple_of3A_402] : memref<4194304xf32, #tpu.memory_space<hbm>> -> memref<1024xf32, #tpu.memory_space<hbm>>
        tpu.enqueue_dma source(%dma_start3A_437 : memref<1024xf32, #tpu.memory_space<hbm>>) target(%arg18 : memref<1024xf32, #tpu.memory_space<vmem>>) target_semaphore(%arg25 : memref<!tpu.dma_semaphore, #tpu.memory_space<semaphore_mem>>)
      } else {
      }
      %add3A_340 = arith.constant 1 : i32
      %add3A_341 = arith.addi %add3A_335, %add3A_340 : i32
      %lt3A_342 = arith.constant 256 : i32
      %lt3A_343 = arith.cmpi slt, %add3A_341, %lt3A_342 : i32
      %convert_element_type3A_344 = arith.extui %lt3A_343 : i1 to i32
      %cond3A_345 = arith.constant 0 : i32
      %cond3A_346 = arith.cmpi ne, %convert_element_type3A_344, %cond3A_345 : i32
      scf.if %cond3A_346 {
        %dma_wait3A_395 = arith.constant 0 : i32
        %dma_wait3A_396 = arith.constant 0 : i32
        %dma_wait3A_397 = tpu.memref_slice %arg3[%dma_wait3A_395, %dma_wait3A_396] : memref<32768x128xi32, #tpu.memory_space<hbm>> -> memref<8x128xi32, #tpu.memory_space<hbm>>
        %dma_wait3A_398 = arith.constant 0 : i32
        %dma_wait3A_399 = arith.constant 0 : i32
        %dma_wait3A_400 = tpu.memref_slice %arg3[%dma_wait3A_398, %dma_wait3A_399] : memref<32768x128xi32, #tpu.memory_space<hbm>> -> memref<8x128xi32, #tpu.memory_space<hbm>>
        tpu.wait_dma2 semaphore(%arg23 : memref<!tpu.dma_semaphore, #tpu.memory_space<semaphore_mem>>) src(%dma_wait3A_400 : memref<8x128xi32, #tpu.memory_space<hbm>>) dst(%arg8 : memref<8x128xi32, #tpu.memory_space<vmem>>)
        %dma_wait3A_401 = arith.constant 0 : i32
        %dma_wait3A_402 = arith.constant 0 : i32
        %dma_wait3A_403 = tpu.memref_slice %arg4[%dma_wait3A_401, %dma_wait3A_402] : memref<32768x128xi32, #tpu.memory_space<hbm>> -> memref<8x128xi32, #tpu.memory_space<hbm>>
        %dma_wait3A_404 = arith.constant 0 : i32
        %dma_wait3A_405 = arith.constant 0 : i32
        %dma_wait3A_406 = tpu.memref_slice %arg4[%dma_wait3A_404, %dma_wait3A_405] : memref<32768x128xi32, #tpu.memory_space<hbm>> -> memref<8x128xi32, #tpu.memory_space<hbm>>
        tpu.wait_dma2 semaphore(%arg23 : memref<!tpu.dma_semaphore, #tpu.memory_space<semaphore_mem>>) src(%dma_wait3A_406 : memref<8x128xi32, #tpu.memory_space<hbm>>) dst(%arg12 : memref<8x128xi32, #tpu.memory_space<vmem>>)
        %dma_wait3A_407 = arith.constant 0 : i32
        %dma_wait3A_408 = tpu.memref_slice %arg5[%dma_wait3A_407] : memref<4194304xf32, #tpu.memory_space<hbm>> -> memref<1024xf32, #tpu.memory_space<hbm>>
        %dma_wait3A_409 = arith.constant 0 : i32
        %dma_wait3A_410 = tpu.memref_slice %arg5[%dma_wait3A_409] : memref<4194304xf32, #tpu.memory_space<hbm>> -> memref<1024xf32, #tpu.memory_space<hbm>>
        tpu.wait_dma2 semaphore(%arg23 : memref<!tpu.dma_semaphore, #tpu.memory_space<semaphore_mem>>) src(%dma_wait3A_410 : memref<1024xf32, #tpu.memory_space<hbm>>) dst(%arg16 : memref<1024xf32, #tpu.memory_space<vmem>>)
      } else {
      }
      %add3A_347 = arith.constant 1 : i32
      %add3A_348 = arith.addi %add3A_333, %add3A_347 : i32
      %add3A_349 = arith.constant 3 : i32
      %add3A_350 = arith.addi %add3A_348, %add3A_349 : i32
      %lt3A_351 = arith.constant 256 : i32
      %lt3A_352 = arith.cmpi slt, %add3A_350, %lt3A_351 : i32
      %convert_element_type3A_353 = arith.extui %lt3A_352 : i1 to i32
      %cond3A_354 = arith.constant 0 : i32
      %cond3A_355 = arith.cmpi ne, %convert_element_type3A_353, %cond3A_354 : i32
      scf.if %cond3A_355 {
        %add3A_395 = arith.constant 3 : i32
        %add3A_396 = arith.addi %add3A_348, %add3A_395 : i32
        %mul3A_397 = arith.constant 262144 : i32
        %mul3A_398 = arith.muli %arg1, %mul3A_397 : i32
        %mul3A_399 = arith.constant 1024 : i32
        %mul3A_400 = arith.muli %add3A_396, %mul3A_399 : i32
        %add3A_401 = arith.addi %mul3A_398, %mul3A_400 : i32
        %multiple_of3A_402 = tpu.assume_multiple %add3A_401, 1024 : i32
        %jit3A_403 = arith.constant 128 : i32
        %div3A_404 = arith.divsi %multiple_of3A_402, %jit3A_403 : i32
        %sign3A_405 = arith.constant 0 : i32
        %sign3A_406 = arith.cmpi sgt, %multiple_of3A_402, %sign3A_405 : i32
        %sign3A_407 = arith.extui %sign3A_406 : i1 to i32
        %sign3A_408 = arith.constant 0 : i32
        %sign3A_409 = arith.cmpi slt, %multiple_of3A_402, %sign3A_408 : i32
        %sign3A_410 = arith.extui %sign3A_409 : i1 to i32
        %sign3A_411 = arith.subi %sign3A_407, %sign3A_410 : i32
        %sign3A_412 = arith.constant 0 : i32
        %sign3A_413 = arith.cmpi sgt, %jit3A_403, %sign3A_412 : i32
        %sign3A_414 = arith.extui %sign3A_413 : i1 to i32
        %sign3A_415 = arith.constant 0 : i32
        %sign3A_416 = arith.cmpi slt, %jit3A_403, %sign3A_415 : i32
        %sign3A_417 = arith.extui %sign3A_416 : i1 to i32
        %sign3A_418 = arith.subi %sign3A_414, %sign3A_417 : i32
        %ne3A_419 = arith.cmpi ne, %sign3A_411, %sign3A_418 : i32
        %rem3A_420 = arith.remsi %multiple_of3A_402, %jit3A_403 : i32
        %ne3A_421 = arith.constant 0 : i32
        %ne3A_422 = arith.cmpi ne, %rem3A_420, %ne3A_421 : i32
        %and3A_423 = arith.andi %ne3A_419, %ne3A_422 : i1
        %sub3A_424 = arith.constant 1 : i32
        %sub3A_425 = arith.subi %div3A_404, %sub3A_424 : i32
        %select_n3A_426 = arith.select %and3A_423, %sub3A_425, %div3A_404 : i32
        %multiple_of3A_427 = tpu.assume_multiple %select_n3A_426, 8 : i32
        %dma_start3A_428 = arith.constant 0 : i32
        %dma_start3A_429 = tpu.memref_slice %arg3[%multiple_of3A_427, %dma_start3A_428] : memref<32768x128xi32, #tpu.memory_space<hbm>> -> memref<8x128xi32, #tpu.memory_space<hbm>>
        %dma_start3A_430 = arith.constant 0 : i32
        %dma_start3A_431 = tpu.memref_slice %arg3[%multiple_of3A_427, %dma_start3A_430] : memref<32768x128xi32, #tpu.memory_space<hbm>> -> memref<8x128xi32, #tpu.memory_space<hbm>>
        tpu.enqueue_dma source(%dma_start3A_431 : memref<8x128xi32, #tpu.memory_space<hbm>>) target(%arg7 : memref<8x128xi32, #tpu.memory_space<vmem>>) target_semaphore(%arg22 : memref<!tpu.dma_semaphore, #tpu.memory_space<semaphore_mem>>)
        %dma_start3A_432 = arith.constant 0 : i32
        %dma_start3A_433 = tpu.memref_slice %arg4[%multiple_of3A_427, %dma_start3A_432] : memref<32768x128xi32, #tpu.memory_space<hbm>> -> memref<8x128xi32, #tpu.memory_space<hbm>>
        %dma_start3A_434 = arith.constant 0 : i32
        %dma_start3A_435 = tpu.memref_slice %arg4[%multiple_of3A_427, %dma_start3A_434] : memref<32768x128xi32, #tpu.memory_space<hbm>> -> memref<8x128xi32, #tpu.memory_space<hbm>>
        tpu.enqueue_dma source(%dma_start3A_435 : memref<8x128xi32, #tpu.memory_space<hbm>>) target(%arg11 : memref<8x128xi32, #tpu.memory_space<vmem>>) target_semaphore(%arg22 : memref<!tpu.dma_semaphore, #tpu.memory_space<semaphore_mem>>)
        %dma_start3A_436 = tpu.memref_slice %arg5[%multiple_of3A_402] : memref<4194304xf32, #tpu.memory_space<hbm>> -> memref<1024xf32, #tpu.memory_space<hbm>>
        %dma_start3A_437 = tpu.memref_slice %arg5[%multiple_of3A_402] : memref<4194304xf32, #tpu.memory_space<hbm>> -> memref<1024xf32, #tpu.memory_space<hbm>>
        tpu.enqueue_dma source(%dma_start3A_437 : memref<1024xf32, #tpu.memory_space<hbm>>) target(%arg15 : memref<1024xf32, #tpu.memory_space<vmem>>) target_semaphore(%arg22 : memref<!tpu.dma_semaphore, #tpu.memory_space<semaphore_mem>>)
      } else {
      }
      %add3A_356 = arith.constant 1 : i32
      %add3A_357 = arith.addi %add3A_348, %add3A_356 : i32
      %lt3A_358 = arith.constant 256 : i32
      %lt3A_359 = arith.cmpi slt, %add3A_357, %lt3A_358 : i32
      %convert_element_type3A_360 = arith.extui %lt3A_359 : i1 to i32
      %cond3A_361 = arith.constant 0 : i32
      %cond3A_362 = arith.cmpi ne, %convert_element_type3A_360, %cond3A_361 : i32
      scf.if %cond3A_362 {
        %dma_wait3A_395 = arith.constant 0 : i32
        %dma_wait3A_396 = arith.constant 0 : i32
        %dma_wait3A_397 = tpu.memref_slice %arg3[%dma_wait3A_395, %dma_wait3A_396] : memref<32768x128xi32, #tpu.memory_space<hbm>> -> memref<8x128xi32, #tpu.memory_space<hbm>>
        %dma_wait3A_398 = arith.constant 0 : i32
        %dma_wait3A_399 = arith.constant 0 : i32
        %dma_wait3A_400 = tpu.memref_slice %arg3[%dma_wait3A_398, %dma_wait3A_399] : memref<32768x128xi32, #tpu.memory_space<hbm>> -> memref<8x128xi32, #tpu.memory_space<hbm>>
        tpu.wait_dma2 semaphore(%arg24 : memref<!tpu.dma_semaphore, #tpu.memory_space<semaphore_mem>>) src(%dma_wait3A_400 : memref<8x128xi32, #tpu.memory_space<hbm>>) dst(%arg9 : memref<8x128xi32, #tpu.memory_space<vmem>>)
        %dma_wait3A_401 = arith.constant 0 : i32
        %dma_wait3A_402 = arith.constant 0 : i32
        %dma_wait3A_403 = tpu.memref_slice %arg4[%dma_wait3A_401, %dma_wait3A_402] : memref<32768x128xi32, #tpu.memory_space<hbm>> -> memref<8x128xi32, #tpu.memory_space<hbm>>
        %dma_wait3A_404 = arith.constant 0 : i32
        %dma_wait3A_405 = arith.constant 0 : i32
        %dma_wait3A_406 = tpu.memref_slice %arg4[%dma_wait3A_404, %dma_wait3A_405] : memref<32768x128xi32, #tpu.memory_space<hbm>> -> memref<8x128xi32, #tpu.memory_space<hbm>>
        tpu.wait_dma2 semaphore(%arg24 : memref<!tpu.dma_semaphore, #tpu.memory_space<semaphore_mem>>) src(%dma_wait3A_406 : memref<8x128xi32, #tpu.memory_space<hbm>>) dst(%arg13 : memref<8x128xi32, #tpu.memory_space<vmem>>)
        %dma_wait3A_407 = arith.constant 0 : i32
        %dma_wait3A_408 = tpu.memref_slice %arg5[%dma_wait3A_407] : memref<4194304xf32, #tpu.memory_space<hbm>> -> memref<1024xf32, #tpu.memory_space<hbm>>
        %dma_wait3A_409 = arith.constant 0 : i32
        %dma_wait3A_410 = tpu.memref_slice %arg5[%dma_wait3A_409] : memref<4194304xf32, #tpu.memory_space<hbm>> -> memref<1024xf32, #tpu.memory_space<hbm>>
        tpu.wait_dma2 semaphore(%arg24 : memref<!tpu.dma_semaphore, #tpu.memory_space<semaphore_mem>>) src(%dma_wait3A_410 : memref<1024xf32, #tpu.memory_space<hbm>>) dst(%arg17 : memref<1024xf32, #tpu.memory_space<vmem>>)
      } else {
      }
      %add3A_363 = arith.constant 2 : i32
      %add3A_364 = arith.addi %add3A_333, %add3A_363 : i32
      %add3A_365 = arith.constant 3 : i32
      %add3A_366 = arith.addi %add3A_364, %add3A_365 : i32
      %lt3A_367 = arith.constant 256 : i32
      %lt3A_368 = arith.cmpi slt, %add3A_366, %lt3A_367 : i32
      %convert_element_type3A_369 = arith.extui %lt3A_368 : i1 to i32
      %cond3A_370 = arith.constant 0 : i32
      %cond3A_371 = arith.cmpi ne, %convert_element_type3A_369, %cond3A_370 : i32
      scf.if %cond3A_371 {
        %add3A_395 = arith.constant 3 : i32
        %add3A_396 = arith.addi %add3A_364, %add3A_395 : i32
        %mul3A_397 = arith.constant 262144 : i32
        %mul3A_398 = arith.muli %arg1, %mul3A_397 : i32
        %mul3A_399 = arith.constant 1024 : i32
        %mul3A_400 = arith.muli %add3A_396, %mul3A_399 : i32
        %add3A_401 = arith.addi %mul3A_398, %mul3A_400 : i32
        %multiple_of3A_402 = tpu.assume_multiple %add3A_401, 1024 : i32
        %jit3A_403 = arith.constant 128 : i32
        %div3A_404 = arith.divsi %multiple_of3A_402, %jit3A_403 : i32
        %sign3A_405 = arith.constant 0 : i32
        %sign3A_406 = arith.cmpi sgt, %multiple_of3A_402, %sign3A_405 : i32
        %sign3A_407 = arith.extui %sign3A_406 : i1 to i32
        %sign3A_408 = arith.constant 0 : i32
        %sign3A_409 = arith.cmpi slt, %multiple_of3A_402, %sign3A_408 : i32
        %sign3A_410 = arith.extui %sign3A_409 : i1 to i32
        %sign3A_411 = arith.subi %sign3A_407, %sign3A_410 : i32
        %sign3A_412 = arith.constant 0 : i32
        %sign3A_413 = arith.cmpi sgt, %jit3A_403, %sign3A_412 : i32
        %sign3A_414 = arith.extui %sign3A_413 : i1 to i32
        %sign3A_415 = arith.constant 0 : i32
        %sign3A_416 = arith.cmpi slt, %jit3A_403, %sign3A_415 : i32
        %sign3A_417 = arith.extui %sign3A_416 : i1 to i32
        %sign3A_418 = arith.subi %sign3A_414, %sign3A_417 : i32
        %ne3A_419 = arith.cmpi ne, %sign3A_411, %sign3A_418 : i32
        %rem3A_420 = arith.remsi %multiple_of3A_402, %jit3A_403 : i32
        %ne3A_421 = arith.constant 0 : i32
        %ne3A_422 = arith.cmpi ne, %rem3A_420, %ne3A_421 : i32
        %and3A_423 = arith.andi %ne3A_419, %ne3A_422 : i1
        %sub3A_424 = arith.constant 1 : i32
        %sub3A_425 = arith.subi %div3A_404, %sub3A_424 : i32
        %select_n3A_426 = arith.select %and3A_423, %sub3A_425, %div3A_404 : i32
        %multiple_of3A_427 = tpu.assume_multiple %select_n3A_426, 8 : i32
        %dma_start3A_428 = arith.constant 0 : i32
        %dma_start3A_429 = tpu.memref_slice %arg3[%multiple_of3A_427, %dma_start3A_428] : memref<32768x128xi32, #tpu.memory_space<hbm>> -> memref<8x128xi32, #tpu.memory_space<hbm>>
        %dma_start3A_430 = arith.constant 0 : i32
        %dma_start3A_431 = tpu.memref_slice %arg3[%multiple_of3A_427, %dma_start3A_430] : memref<32768x128xi32, #tpu.memory_space<hbm>> -> memref<8x128xi32, #tpu.memory_space<hbm>>
        tpu.enqueue_dma source(%dma_start3A_431 : memref<8x128xi32, #tpu.memory_space<hbm>>) target(%arg8 : memref<8x128xi32, #tpu.memory_space<vmem>>) target_semaphore(%arg23 : memref<!tpu.dma_semaphore, #tpu.memory_space<semaphore_mem>>)
        %dma_start3A_432 = arith.constant 0 : i32
        %dma_start3A_433 = tpu.memref_slice %arg4[%multiple_of3A_427, %dma_start3A_432] : memref<32768x128xi32, #tpu.memory_space<hbm>> -> memref<8x128xi32, #tpu.memory_space<hbm>>
        %dma_start3A_434 = arith.constant 0 : i32
        %dma_start3A_435 = tpu.memref_slice %arg4[%multiple_of3A_427, %dma_start3A_434] : memref<32768x128xi32, #tpu.memory_space<hbm>> -> memref<8x128xi32, #tpu.memory_space<hbm>>
        tpu.enqueue_dma source(%dma_start3A_435 : memref<8x128xi32, #tpu.memory_space<hbm>>) target(%arg12 : memref<8x128xi32, #tpu.memory_space<vmem>>) target_semaphore(%arg23 : memref<!tpu.dma_semaphore, #tpu.memory_space<semaphore_mem>>)
        %dma_start3A_436 = tpu.memref_slice %arg5[%multiple_of3A_402] : memref<4194304xf32, #tpu.memory_space<hbm>> -> memref<1024xf32, #tpu.memory_space<hbm>>
        %dma_start3A_437 = tpu.memref_slice %arg5[%multiple_of3A_402] : memref<4194304xf32, #tpu.memory_space<hbm>> -> memref<1024xf32, #tpu.memory_space<hbm>>
        tpu.enqueue_dma source(%dma_start3A_437 : memref<1024xf32, #tpu.memory_space<hbm>>) target(%arg16 : memref<1024xf32, #tpu.memory_space<vmem>>) target_semaphore(%arg23 : memref<!tpu.dma_semaphore, #tpu.memory_space<semaphore_mem>>)
      } else {
      }
      %add3A_372 = arith.constant 1 : i32
      %add3A_373 = arith.addi %add3A_364, %add3A_372 : i32
      %lt3A_374 = arith.constant 256 : i32
      %lt3A_375 = arith.cmpi slt, %add3A_373, %lt3A_374 : i32
      %convert_element_type3A_376 = arith.extui %lt3A_375 : i1 to i32
      %cond3A_377 = arith.constant 0 : i32
      %cond3A_378 = arith.cmpi ne, %convert_element_type3A_376, %cond3A_377 : i32
      scf.if %cond3A_378 {
        %dma_wait3A_395 = arith.constant 0 : i32
        %dma_wait3A_396 = arith.constant 0 : i32
        %dma_wait3A_397 = tpu.memref_slice %arg3[%dma_wait3A_395, %dma_wait3A_396] : memref<32768x128xi32, #tpu.memory_space<hbm>> -> memref<8x128xi32, #tpu.memory_space<hbm>>
        %dma_wait3A_398 = arith.constant 0 : i32
        %dma_wait3A_399 = arith.constant 0 : i32
        %dma_wait3A_400 = tpu.memref_slice %arg3[%dma_wait3A_398, %dma_wait3A_399] : memref<32768x128xi32, #tpu.memory_space<hbm>> -> memref<8x128xi32, #tpu.memory_space<hbm>>
        tpu.wait_dma2 semaphore(%arg25 : memref<!tpu.dma_semaphore, #tpu.memory_space<semaphore_mem>>) src(%dma_wait3A_400 : memref<8x128xi32, #tpu.memory_space<hbm>>) dst(%arg10 : memref<8x128xi32, #tpu.memory_space<vmem>>)
        %dma_wait3A_401 = arith.constant 0 : i32
        %dma_wait3A_402 = arith.constant 0 : i32
        %dma_wait3A_403 = tpu.memref_slice %arg4[%dma_wait3A_401, %dma_wait3A_402] : memref<32768x128xi32, #tpu.memory_space<hbm>> -> memref<8x128xi32, #tpu.memory_space<hbm>>
        %dma_wait3A_404 = arith.constant 0 : i32
        %dma_wait3A_405 = arith.constant 0 : i32
        %dma_wait3A_406 = tpu.memref_slice %arg4[%dma_wait3A_404, %dma_wait3A_405] : memref<32768x128xi32, #tpu.memory_space<hbm>> -> memref<8x128xi32, #tpu.memory_space<hbm>>
        tpu.wait_dma2 semaphore(%arg25 : memref<!tpu.dma_semaphore, #tpu.memory_space<semaphore_mem>>) src(%dma_wait3A_406 : memref<8x128xi32, #tpu.memory_space<hbm>>) dst(%arg14 : memref<8x128xi32, #tpu.memory_space<vmem>>)
        %dma_wait3A_407 = arith.constant 0 : i32
        %dma_wait3A_408 = tpu.memref_slice %arg5[%dma_wait3A_407] : memref<4194304xf32, #tpu.memory_space<hbm>> -> memref<1024xf32, #tpu.memory_space<hbm>>
        %dma_wait3A_409 = arith.constant 0 : i32
        %dma_wait3A_410 = tpu.memref_slice %arg5[%dma_wait3A_409] : memref<4194304xf32, #tpu.memory_space<hbm>> -> memref<1024xf32, #tpu.memory_space<hbm>>
        tpu.wait_dma2 semaphore(%arg25 : memref<!tpu.dma_semaphore, #tpu.memory_space<semaphore_mem>>) src(%dma_wait3A_410 : memref<1024xf32, #tpu.memory_space<hbm>>) dst(%arg18 : memref<1024xf32, #tpu.memory_space<vmem>>)
      } else {
      }
      %add3A_379 = arith.constant 3 : i32
      %add3A_380 = arith.addi %add3A_333, %add3A_379 : i32
      %add3A_381 = arith.constant 3 : i32
      %add3A_382 = arith.addi %add3A_380, %add3A_381 : i32
      %lt3A_383 = arith.constant 256 : i32
      %lt3A_384 = arith.cmpi slt, %add3A_382, %lt3A_383 : i32
      %convert_element_type3A_385 = arith.extui %lt3A_384 : i1 to i32
      %cond3A_386 = arith.constant 0 : i32
      %cond3A_387 = arith.cmpi ne, %convert_element_type3A_385, %cond3A_386 : i32
      scf.if %cond3A_387 {
        %add3A_395 = arith.constant 3 : i32
        %add3A_396 = arith.addi %add3A_380, %add3A_395 : i32
        %mul3A_397 = arith.constant 262144 : i32
        %mul3A_398 = arith.muli %arg1, %mul3A_397 : i32
        %mul3A_399 = arith.constant 1024 : i32
        %mul3A_400 = arith.muli %add3A_396, %mul3A_399 : i32
        %add3A_401 = arith.addi %mul3A_398, %mul3A_400 : i32
        %multiple_of3A_402 = tpu.assume_multiple %add3A_401, 1024 : i32
        %jit3A_403 = arith.constant 128 : i32
        %div3A_404 = arith.divsi %multiple_of3A_402, %jit3A_403 : i32
        %sign3A_405 = arith.constant 0 : i32
        %sign3A_406 = arith.cmpi sgt, %multiple_of3A_402, %sign3A_405 : i32
        %sign3A_407 = arith.extui %sign3A_406 : i1 to i32
        %sign3A_408 = arith.constant 0 : i32
        %sign3A_409 = arith.cmpi slt, %multiple_of3A_402, %sign3A_408 : i32
        %sign3A_410 = arith.extui %sign3A_409 : i1 to i32
        %sign3A_411 = arith.subi %sign3A_407, %sign3A_410 : i32
        %sign3A_412 = arith.constant 0 : i32
        %sign3A_413 = arith.cmpi sgt, %jit3A_403, %sign3A_412 : i32
        %sign3A_414 = arith.extui %sign3A_413 : i1 to i32
        %sign3A_415 = arith.constant 0 : i32
        %sign3A_416 = arith.cmpi slt, %jit3A_403, %sign3A_415 : i32
        %sign3A_417 = arith.extui %sign3A_416 : i1 to i32
        %sign3A_418 = arith.subi %sign3A_414, %sign3A_417 : i32
        %ne3A_419 = arith.cmpi ne, %sign3A_411, %sign3A_418 : i32
        %rem3A_420 = arith.remsi %multiple_of3A_402, %jit3A_403 : i32
        %ne3A_421 = arith.constant 0 : i32
        %ne3A_422 = arith.cmpi ne, %rem3A_420, %ne3A_421 : i32
        %and3A_423 = arith.andi %ne3A_419, %ne3A_422 : i1
        %sub3A_424 = arith.constant 1 : i32
        %sub3A_425 = arith.subi %div3A_404, %sub3A_424 : i32
        %select_n3A_426 = arith.select %and3A_423, %sub3A_425, %div3A_404 : i32
        %multiple_of3A_427 = tpu.assume_multiple %select_n3A_426, 8 : i32
        %dma_start3A_428 = arith.constant 0 : i32
        %dma_start3A_429 = tpu.memref_slice %arg3[%multiple_of3A_427, %dma_start3A_428] : memref<32768x128xi32, #tpu.memory_space<hbm>> -> memref<8x128xi32, #tpu.memory_space<hbm>>
        %dma_start3A_430 = arith.constant 0 : i32
        %dma_start3A_431 = tpu.memref_slice %arg3[%multiple_of3A_427, %dma_start3A_430] : memref<32768x128xi32, #tpu.memory_space<hbm>> -> memref<8x128xi32, #tpu.memory_space<hbm>>
        tpu.enqueue_dma source(%dma_start3A_431 : memref<8x128xi32, #tpu.memory_space<hbm>>) target(%arg9 : memref<8x128xi32, #tpu.memory_space<vmem>>) target_semaphore(%arg24 : memref<!tpu.dma_semaphore, #tpu.memory_space<semaphore_mem>>)
        %dma_start3A_432 = arith.constant 0 : i32
        %dma_start3A_433 = tpu.memref_slice %arg4[%multiple_of3A_427, %dma_start3A_432] : memref<32768x128xi32, #tpu.memory_space<hbm>> -> memref<8x128xi32, #tpu.memory_space<hbm>>
        %dma_start3A_434 = arith.constant 0 : i32
        %dma_start3A_435 = tpu.memref_slice %arg4[%multiple_of3A_427, %dma_start3A_434] : memref<32768x128xi32, #tpu.memory_space<hbm>> -> memref<8x128xi32, #tpu.memory_space<hbm>>
        tpu.enqueue_dma source(%dma_start3A_435 : memref<8x128xi32, #tpu.memory_space<hbm>>) target(%arg13 : memref<8x128xi32, #tpu.memory_space<vmem>>) target_semaphore(%arg24 : memref<!tpu.dma_semaphore, #tpu.memory_space<semaphore_mem>>)
        %dma_start3A_436 = tpu.memref_slice %arg5[%multiple_of3A_402] : memref<4194304xf32, #tpu.memory_space<hbm>> -> memref<1024xf32, #tpu.memory_space<hbm>>
        %dma_start3A_437 = tpu.memref_slice %arg5[%multiple_of3A_402] : memref<4194304xf32, #tpu.memory_space<hbm>> -> memref<1024xf32, #tpu.memory_space<hbm>>
        tpu.enqueue_dma source(%dma_start3A_437 : memref<1024xf32, #tpu.memory_space<hbm>>) target(%arg17 : memref<1024xf32, #tpu.memory_space<vmem>>) target_semaphore(%arg24 : memref<!tpu.dma_semaphore, #tpu.memory_space<semaphore_mem>>)
      } else {
      }
      %add3A_388 = arith.constant 1 : i32
      %add3A_389 = arith.addi %add3A_380, %add3A_388 : i32
      %lt3A_390 = arith.constant 256 : i32
      %lt3A_391 = arith.cmpi slt, %add3A_389, %lt3A_390 : i32
      %convert_element_type3A_392 = arith.extui %lt3A_391 : i1 to i32
      %cond3A_393 = arith.constant 0 : i32
      %cond3A_394 = arith.cmpi ne, %convert_element_type3A_392, %cond3A_393 : i32
      scf.if %cond3A_394 {
        %dma_wait3A_395 = arith.constant 0 : i32
        %dma_wait3A_396 = arith.constant 0 : i32
        %dma_wait3A_397 = tpu.memref_slice %arg3[%dma_wait3A_395, %dma_wait3A_396] : memref<32768x128xi32, #tpu.memory_space<hbm>> -> memref<8x128xi32, #tpu.memory_space<hbm>>
        %dma_wait3A_398 = arith.constant 0 : i32
        %dma_wait3A_399 = arith.constant 0 : i32
        %dma_wait3A_400 = tpu.memref_slice %arg3[%dma_wait3A_398, %dma_wait3A_399] : memref<32768x128xi32, #tpu.memory_space<hbm>> -> memref<8x128xi32, #tpu.memory_space<hbm>>
        tpu.wait_dma2 semaphore(%arg22 : memref<!tpu.dma_semaphore, #tpu.memory_space<semaphore_mem>>) src(%dma_wait3A_400 : memref<8x128xi32, #tpu.memory_space<hbm>>) dst(%arg7 : memref<8x128xi32, #tpu.memory_space<vmem>>)
        %dma_wait3A_401 = arith.constant 0 : i32
        %dma_wait3A_402 = arith.constant 0 : i32
        %dma_wait3A_403 = tpu.memref_slice %arg4[%dma_wait3A_401, %dma_wait3A_402] : memref<32768x128xi32, #tpu.memory_space<hbm>> -> memref<8x128xi32, #tpu.memory_space<hbm>>
        %dma_wait3A_404 = arith.constant 0 : i32
        %dma_wait3A_405 = arith.constant 0 : i32
        %dma_wait3A_406 = tpu.memref_slice %arg4[%dma_wait3A_404, %dma_wait3A_405] : memref<32768x128xi32, #tpu.memory_space<hbm>> -> memref<8x128xi32, #tpu.memory_space<hbm>>
        tpu.wait_dma2 semaphore(%arg22 : memref<!tpu.dma_semaphore, #tpu.memory_space<semaphore_mem>>) src(%dma_wait3A_406 : memref<8x128xi32, #tpu.memory_space<hbm>>) dst(%arg11 : memref<8x128xi32, #tpu.memory_space<vmem>>)
        %dma_wait3A_407 = arith.constant 0 : i32
        %dma_wait3A_408 = tpu.memref_slice %arg5[%dma_wait3A_407] : memref<4194304xf32, #tpu.memory_space<hbm>> -> memref<1024xf32, #tpu.memory_space<hbm>>
        %dma_wait3A_409 = arith.constant 0 : i32
        %dma_wait3A_410 = tpu.memref_slice %arg5[%dma_wait3A_409] : memref<4194304xf32, #tpu.memory_space<hbm>> -> memref<1024xf32, #tpu.memory_space<hbm>>
        tpu.wait_dma2 semaphore(%arg22 : memref<!tpu.dma_semaphore, #tpu.memory_space<semaphore_mem>>) src(%dma_wait3A_410 : memref<1024xf32, #tpu.memory_space<hbm>>) dst(%arg15 : memref<1024xf32, #tpu.memory_space<vmem>>)
      } else {
      }
    }
    %scan3A_151 = arith.constant 64 : i32
    %barrier3A_152 = arith.constant 0 : index
    tpu.barrier barrier_id(%barrier3A_152)
    %mul3A_153 = arith.constant 4096 : i32
    %mul3A_154 = arith.muli %arg1, %mul3A_153 : i32
    %mul3A_155 = arith.constant 4096 : i32
    %mul3A_156 = arith.muli %arg1, %mul3A_155 : i32
    "tpu.region"() ({
      %run_scoped3A = tpu.sem_alloc : memref<!tpu.dma_semaphore, #tpu.memory_space<semaphore_mem>>
      %dma_start3A_329 = arith.constant 0 : i32
      %dma_start3A_330 = arith.constant 0 : i32
      %dma_start3A_331 = tpu.memref_slice %arg6[%add3A_0, %dma_start3A_329, %dma_start3A_330] : memref<4x65536x16xf32, #tpu.memory_space<hbm>> -> memref<1x65536x16xf32, #tpu.memory_space<hbm>>
      %dma_start3A_332 = tpu.memref_squeeze %dma_start3A_331 : memref<1x65536x16xf32, #tpu.memory_space<hbm>> -> memref<65536x16xf32, #tpu.memory_space<hbm>>
      %dma_start3A_333 = arith.constant 0 : i32
      %dma_start3A_334 = tpu.memref_slice %dma_start3A_332[%mul3A_156, %dma_start3A_333] : memref<65536x16xf32, #tpu.memory_space<hbm>> -> memref<4096x16xf32, #tpu.memory_space<hbm>>
      %dma_start3A_335 = arith.constant 0 : i32
      %dma_start3A_336 = tpu.memref_slice %arg21[%mul3A_154, %dma_start3A_335] : memref<65536x16xf32, #tpu.memory_space<vmem_shared>> -> memref<4096x16xf32, #tpu.memory_space<vmem_shared>>
      tpu.enqueue_dma source(%dma_start3A_336 : memref<4096x16xf32, #tpu.memory_space<vmem_shared>>) target(%dma_start3A_334 : memref<4096x16xf32, #tpu.memory_space<hbm>>) target_semaphore(%run_scoped3A : memref<!tpu.dma_semaphore, #tpu.memory_space<semaphore_mem>>)
      %dma_wait3A_337 = arith.constant 0 : i32
      %dma_wait3A_338 = arith.constant 0 : i32
      %dma_wait3A_339 = tpu.memref_slice %arg6[%add3A_0, %dma_wait3A_337, %dma_wait3A_338] : memref<4x65536x16xf32, #tpu.memory_space<hbm>> -> memref<1x65536x16xf32, #tpu.memory_space<hbm>>
      %dma_wait3A_340 = tpu.memref_squeeze %dma_wait3A_339 : memref<1x65536x16xf32, #tpu.memory_space<hbm>> -> memref<65536x16xf32, #tpu.memory_space<hbm>>
      %dma_wait3A_341 = arith.constant 0 : i32
      %dma_wait3A_342 = tpu.memref_slice %dma_wait3A_340[%mul3A_156, %dma_wait3A_341] : memref<65536x16xf32, #tpu.memory_space<hbm>> -> memref<4096x16xf32, #tpu.memory_space<hbm>>
      %dma_wait3A_343 = arith.constant 0 : i32
      %dma_wait3A_344 = tpu.memref_slice %arg21[%mul3A_154, %dma_wait3A_343] : memref<65536x16xf32, #tpu.memory_space<vmem_shared>> -> memref<4096x16xf32, #tpu.memory_space<vmem_shared>>
      tpu.wait_dma2 semaphore(%run_scoped3A : memref<!tpu.dma_semaphore, #tpu.memory_space<semaphore_mem>>) src(%dma_wait3A_344 : memref<4096x16xf32, #tpu.memory_space<vmem_shared>>) dst(%dma_wait3A_342 : memref<4096x16xf32, #tpu.memory_space<hbm>>)
      tpu.yield
    }) : () -> ()
    %add3A_157 = arith.constant 2 : i32
    %add3A_158 = arith.addi %add3A_157, %arg0 : i32
    %scan3A_159 = arith.constant 0 : i32
    %scan3A_160 = arith.constant 0 : i32
    %scan3A_161 = arith.constant 1024 : i32
    %scan3A_162 = arith.addi %scan3A_160, %scan3A_161 : i32
    %scan3A_163 = arith.constant 1 : i32
    %scan3A_164 = scf.for %scan3A_329 = %scan3A_160 to %scan3A_162 step %scan3A_163 iter_args(%scan3A_330 = %scan3A_159) -> (i32)  : i32 {
      %broadcast_in_dim3A = arith.constant 0.000000e+00 : f32
      %broadcast_in_dim3A_331 = vector.broadcast %broadcast_in_dim3A : f32 to vector<16xf32>
      %swap3A = arith.index_cast %scan3A_329 : i32 to index
      %swap3A_332 = arith.constant 0 : index
      %swap3A_333 = tpu.vector_load %arg19[%swap3A, %swap3A_332] {strides = array<i32>} : memref<1024x16xf32, #tpu.memory_space<vmem>>, vector<1x16xf32>,
      %swap3A_334 = vector.shape_cast %swap3A_333 : vector<1x16xf32> to vector<16xf32>
      %swap3A_335 = vector.shape_cast %broadcast_in_dim3A_331 : vector<16xf32> to vector<1x16xf32>
      tpu.vector_store %arg19[%swap3A, %swap3A_332], %swap3A_335 {strides = array<i32>} : memref<1024x16xf32, #tpu.memory_space<vmem>>, vector<1x16xf32>,
      %scan3A_336 = arith.constant 0 : i32
      scf.yield %scan3A_336 : i32
    }
    %scan3A_165 = arith.constant 1024 : i32
    %mul3A_166 = arith.constant 4096 : i32
    %mul3A_167 = arith.muli %arg1, %mul3A_166 : i32
    %add3A_168 = arith.constant 0 : i32
    %add3A_169 = arith.addi %mul3A_167, %add3A_168 : i32
    "tpu.region"() ({
      %run_scoped3A = tpu.sem_alloc : memref<!tpu.dma_semaphore, #tpu.memory_space<semaphore_mem>>
      %dma_start3A_329 = arith.constant 0 : i32
      %dma_start3A_330 = tpu.memref_slice %arg21[%add3A_169, %dma_start3A_329] : memref<65536x16xf32, #tpu.memory_space<vmem_shared>> -> memref<1024x16xf32, #tpu.memory_space<vmem_shared>>
      %dma_start3A_331 = arith.constant 0 : i32
      %dma_start3A_332 = tpu.memref_slice %arg21[%add3A_169, %dma_start3A_331] : memref<65536x16xf32, #tpu.memory_space<vmem_shared>> -> memref<1024x16xf32, #tpu.memory_space<vmem_shared>>
      tpu.enqueue_dma source(%arg19 : memref<1024x16xf32, #tpu.memory_space<vmem>>) target(%dma_start3A_332 : memref<1024x16xf32, #tpu.memory_space<vmem_shared>>) target_semaphore(%run_scoped3A : memref<!tpu.dma_semaphore, #tpu.memory_space<semaphore_mem>>)
      %dma_wait3A_333 = arith.constant 0 : i32
      %dma_wait3A_334 = tpu.memref_slice %arg21[%add3A_169, %dma_wait3A_333] : memref<65536x16xf32, #tpu.memory_space<vmem_shared>> -> memref<1024x16xf32, #tpu.memory_space<vmem_shared>>
      %dma_wait3A_335 = arith.constant 0 : i32
      %dma_wait3A_336 = tpu.memref_slice %arg21[%add3A_169, %dma_wait3A_335] : memref<65536x16xf32, #tpu.memory_space<vmem_shared>> -> memref<1024x16xf32, #tpu.memory_space<vmem_shared>>
      tpu.wait_dma2 semaphore(%run_scoped3A : memref<!tpu.dma_semaphore, #tpu.memory_space<semaphore_mem>>) src(%arg19 : memref<1024x16xf32, #tpu.memory_space<vmem>>) dst(%dma_wait3A_336 : memref<1024x16xf32, #tpu.memory_space<vmem_shared>>)
      tpu.yield
    }) : () -> ()
    %mul3A_170 = arith.constant 4096 : i32
    %mul3A_171 = arith.muli %arg1, %mul3A_170 : i32
    %add3A_172 = arith.constant 1024 : i32
    %add3A_173 = arith.addi %mul3A_171, %add3A_172 : i32
    "tpu.region"() ({
      %run_scoped3A = tpu.sem_alloc : memref<!tpu.dma_semaphore, #tpu.memory_space<semaphore_mem>>
      %dma_start3A_329 = arith.constant 0 : i32
      %dma_start3A_330 = tpu.memref_slice %arg21[%add3A_173, %dma_start3A_329] : memref<65536x16xf32, #tpu.memory_space<vmem_shared>> -> memref<1024x16xf32, #tpu.memory_space<vmem_shared>>
      %dma_start3A_331 = arith.constant 0 : i32
      %dma_start3A_332 = tpu.memref_slice %arg21[%add3A_173, %dma_start3A_331] : memref<65536x16xf32, #tpu.memory_space<vmem_shared>> -> memref<1024x16xf32, #tpu.memory_space<vmem_shared>>
      tpu.enqueue_dma source(%arg19 : memref<1024x16xf32, #tpu.memory_space<vmem>>) target(%dma_start3A_332 : memref<1024x16xf32, #tpu.memory_space<vmem_shared>>) target_semaphore(%run_scoped3A : memref<!tpu.dma_semaphore, #tpu.memory_space<semaphore_mem>>)
      %dma_wait3A_333 = arith.constant 0 : i32
      %dma_wait3A_334 = tpu.memref_slice %arg21[%add3A_173, %dma_wait3A_333] : memref<65536x16xf32, #tpu.memory_space<vmem_shared>> -> memref<1024x16xf32, #tpu.memory_space<vmem_shared>>
      %dma_wait3A_335 = arith.constant 0 : i32
      %dma_wait3A_336 = tpu.memref_slice %arg21[%add3A_173, %dma_wait3A_335] : memref<65536x16xf32, #tpu.memory_space<vmem_shared>> -> memref<1024x16xf32, #tpu.memory_space<vmem_shared>>
      tpu.wait_dma2 semaphore(%run_scoped3A : memref<!tpu.dma_semaphore, #tpu.memory_space<semaphore_mem>>) src(%arg19 : memref<1024x16xf32, #tpu.memory_space<vmem>>) dst(%dma_wait3A_336 : memref<1024x16xf32, #tpu.memory_space<vmem_shared>>)
      tpu.yield
    }) : () -> ()
    %mul3A_174 = arith.constant 4096 : i32
    %mul3A_175 = arith.muli %arg1, %mul3A_174 : i32
    %add3A_176 = arith.constant 2048 : i32
    %add3A_177 = arith.addi %mul3A_175, %add3A_176 : i32
    "tpu.region"() ({
      %run_scoped3A = tpu.sem_alloc : memref<!tpu.dma_semaphore, #tpu.memory_space<semaphore_mem>>
      %dma_start3A_329 = arith.constant 0 : i32
      %dma_start3A_330 = tpu.memref_slice %arg21[%add3A_177, %dma_start3A_329] : memref<65536x16xf32, #tpu.memory_space<vmem_shared>> -> memref<1024x16xf32, #tpu.memory_space<vmem_shared>>
      %dma_start3A_331 = arith.constant 0 : i32
      %dma_start3A_332 = tpu.memref_slice %arg21[%add3A_177, %dma_start3A_331] : memref<65536x16xf32, #tpu.memory_space<vmem_shared>> -> memref<1024x16xf32, #tpu.memory_space<vmem_shared>>
      tpu.enqueue_dma source(%arg19 : memref<1024x16xf32, #tpu.memory_space<vmem>>) target(%dma_start3A_332 : memref<1024x16xf32, #tpu.memory_space<vmem_shared>>) target_semaphore(%run_scoped3A : memref<!tpu.dma_semaphore, #tpu.memory_space<semaphore_mem>>)
      %dma_wait3A_333 = arith.constant 0 : i32
      %dma_wait3A_334 = tpu.memref_slice %arg21[%add3A_177, %dma_wait3A_333] : memref<65536x16xf32, #tpu.memory_space<vmem_shared>> -> memref<1024x16xf32, #tpu.memory_space<vmem_shared>>
      %dma_wait3A_335 = arith.constant 0 : i32
      %dma_wait3A_336 = tpu.memref_slice %arg21[%add3A_177, %dma_wait3A_335] : memref<65536x16xf32, #tpu.memory_space<vmem_shared>> -> memref<1024x16xf32, #tpu.memory_space<vmem_shared>>
      tpu.wait_dma2 semaphore(%run_scoped3A : memref<!tpu.dma_semaphore, #tpu.memory_space<semaphore_mem>>) src(%arg19 : memref<1024x16xf32, #tpu.memory_space<vmem>>) dst(%dma_wait3A_336 : memref<1024x16xf32, #tpu.memory_space<vmem_shared>>)
      tpu.yield
    }) : () -> ()
    %mul3A_178 = arith.constant 4096 : i32
    %mul3A_179 = arith.muli %arg1, %mul3A_178 : i32
    %add3A_180 = arith.constant 3072 : i32
    %add3A_181 = arith.addi %mul3A_179, %add3A_180 : i32
    "tpu.region"() ({
      %run_scoped3A = tpu.sem_alloc : memref<!tpu.dma_semaphore, #tpu.memory_space<semaphore_mem>>
      %dma_start3A_329 = arith.constant 0 : i32
      %dma_start3A_330 = tpu.memref_slice %arg21[%add3A_181, %dma_start3A_329] : memref<65536x16xf32, #tpu.memory_space<vmem_shared>> -> memref<1024x16xf32, #tpu.memory_space<vmem_shared>>
      %dma_start3A_331 = arith.constant 0 : i32
      %dma_start3A_332 = tpu.memref_slice %arg21[%add3A_181, %dma_start3A_331] : memref<65536x16xf32, #tpu.memory_space<vmem_shared>> -> memref<1024x16xf32, #tpu.memory_space<vmem_shared>>
      tpu.enqueue_dma source(%arg19 : memref<1024x16xf32, #tpu.memory_space<vmem>>) target(%dma_start3A_332 : memref<1024x16xf32, #tpu.memory_space<vmem_shared>>) target_semaphore(%run_scoped3A : memref<!tpu.dma_semaphore, #tpu.memory_space<semaphore_mem>>)
      %dma_wait3A_333 = arith.constant 0 : i32
      %dma_wait3A_334 = tpu.memref_slice %arg21[%add3A_181, %dma_wait3A_333] : memref<65536x16xf32, #tpu.memory_space<vmem_shared>> -> memref<1024x16xf32, #tpu.memory_space<vmem_shared>>
      %dma_wait3A_335 = arith.constant 0 : i32
      %dma_wait3A_336 = tpu.memref_slice %arg21[%add3A_181, %dma_wait3A_335] : memref<65536x16xf32, #tpu.memory_space<vmem_shared>> -> memref<1024x16xf32, #tpu.memory_space<vmem_shared>>
      tpu.wait_dma2 semaphore(%run_scoped3A : memref<!tpu.dma_semaphore, #tpu.memory_space<semaphore_mem>>) src(%arg19 : memref<1024x16xf32, #tpu.memory_space<vmem>>) dst(%dma_wait3A_336 : memref<1024x16xf32, #tpu.memory_space<vmem_shared>>)
      tpu.yield
    }) : () -> ()
    %barrier3A_182 = arith.constant 0 : index
    tpu.barrier barrier_id(%barrier3A_182)
    %mul3A_183 = arith.constant 262144 : i32
    %mul3A_184 = arith.muli %arg1, %mul3A_183 : i32
    %add3A_185 = arith.constant 0 : i32
    %add3A_186 = arith.addi %mul3A_184, %add3A_185 : i32
    %multiple_of3A_187 = tpu.assume_multiple %add3A_186, 1024 : i32
    %jit3A_188 = arith.constant 128 : i32
    %div3A_189 = arith.divsi %multiple_of3A_187, %jit3A_188 : i32
    %sign3A_190 = arith.constant 0 : i32
    %sign3A_191 = arith.cmpi sgt, %multiple_of3A_187, %sign3A_190 : i32
    %sign3A_192 = arith.extui %sign3A_191 : i1 to i32
    %sign3A_193 = arith.constant 0 : i32
    %sign3A_194 = arith.cmpi slt, %multiple_of3A_187, %sign3A_193 : i32
    %sign3A_195 = arith.extui %sign3A_194 : i1 to i32
    %sign3A_196 = arith.subi %sign3A_192, %sign3A_195 : i32
    %sign3A_197 = arith.constant 0 : i32
    %sign3A_198 = arith.cmpi sgt, %jit3A_188, %sign3A_197 : i32
    %sign3A_199 = arith.extui %sign3A_198 : i1 to i32
    %sign3A_200 = arith.constant 0 : i32
    %sign3A_201 = arith.cmpi slt, %jit3A_188, %sign3A_200 : i32
    %sign3A_202 = arith.extui %sign3A_201 : i1 to i32
    %sign3A_203 = arith.subi %sign3A_199, %sign3A_202 : i32
    %ne3A_204 = arith.cmpi ne, %sign3A_196, %sign3A_203 : i32
    %rem3A_205 = arith.remsi %multiple_of3A_187, %jit3A_188 : i32
    %ne3A_206 = arith.constant 0 : i32
    %ne3A_207 = arith.cmpi ne, %rem3A_205, %ne3A_206 : i32
    %and3A_208 = arith.andi %ne3A_204, %ne3A_207 : i1
    %sub3A_209 = arith.constant 1 : i32
    %sub3A_210 = arith.subi %div3A_189, %sub3A_209 : i32
    %select_n3A_211 = arith.select %and3A_208, %sub3A_210, %div3A_189 : i32
    %multiple_of3A_212 = tpu.assume_multiple %select_n3A_211, 8 : i32
    %dma_start3A_213 = arith.constant 0 : i32
    %dma_start3A_214 = tpu.memref_slice %arg3[%multiple_of3A_212, %dma_start3A_213] : memref<32768x128xi32, #tpu.memory_space<hbm>> -> memref<8x128xi32, #tpu.memory_space<hbm>>
    %dma_start3A_215 = arith.constant 0 : i32
    %dma_start3A_216 = tpu.memref_slice %arg3[%multiple_of3A_212, %dma_start3A_215] : memref<32768x128xi32, #tpu.memory_space<hbm>> -> memref<8x128xi32, #tpu.memory_space<hbm>>
    tpu.enqueue_dma source(%dma_start3A_216 : memref<8x128xi32, #tpu.memory_space<hbm>>) target(%arg7 : memref<8x128xi32, #tpu.memory_space<vmem>>) target_semaphore(%arg22 : memref<!tpu.dma_semaphore, #tpu.memory_space<semaphore_mem>>)
    %dma_start3A_217 = arith.constant 0 : i32
    %dma_start3A_218 = tpu.memref_slice %arg4[%multiple_of3A_212, %dma_start3A_217] : memref<32768x128xi32, #tpu.memory_space<hbm>> -> memref<8x128xi32, #tpu.memory_space<hbm>>
    %dma_start3A_219 = arith.constant 0 : i32
    %dma_start3A_220 = tpu.memref_slice %arg4[%multiple_of3A_212, %dma_start3A_219] : memref<32768x128xi32, #tpu.memory_space<hbm>> -> memref<8x128xi32, #tpu.memory_space<hbm>>
    tpu.enqueue_dma source(%dma_start3A_220 : memref<8x128xi32, #tpu.memory_space<hbm>>) target(%arg11 : memref<8x128xi32, #tpu.memory_space<vmem>>) target_semaphore(%arg22 : memref<!tpu.dma_semaphore, #tpu.memory_space<semaphore_mem>>)
    %dma_start3A_221 = tpu.memref_slice %arg5[%multiple_of3A_187] : memref<4194304xf32, #tpu.memory_space<hbm>> -> memref<1024xf32, #tpu.memory_space<hbm>>
    %dma_start3A_222 = tpu.memref_slice %arg5[%multiple_of3A_187] : memref<4194304xf32, #tpu.memory_space<hbm>> -> memref<1024xf32, #tpu.memory_space<hbm>>
    tpu.enqueue_dma source(%dma_start3A_222 : memref<1024xf32, #tpu.memory_space<hbm>>) target(%arg15 : memref<1024xf32, #tpu.memory_space<vmem>>) target_semaphore(%arg22 : memref<!tpu.dma_semaphore, #tpu.memory_space<semaphore_mem>>)
    %mul3A_223 = arith.constant 262144 : i32
    %mul3A_224 = arith.muli %arg1, %mul3A_223 : i32
    %add3A_225 = arith.constant 1024 : i32
    %add3A_226 = arith.addi %mul3A_224, %add3A_225 : i32
    %multiple_of3A_227 = tpu.assume_multiple %add3A_226, 1024 : i32
    %jit3A_228 = arith.constant 128 : i32
    %div3A_229 = arith.divsi %multiple_of3A_227, %jit3A_228 : i32
    %sign3A_230 = arith.constant 0 : i32
    %sign3A_231 = arith.cmpi sgt, %multiple_of3A_227, %sign3A_230 : i32
    %sign3A_232 = arith.extui %sign3A_231 : i1 to i32
    %sign3A_233 = arith.constant 0 : i32
    %sign3A_234 = arith.cmpi slt, %multiple_of3A_227, %sign3A_233 : i32
    %sign3A_235 = arith.extui %sign3A_234 : i1 to i32
    %sign3A_236 = arith.subi %sign3A_232, %sign3A_235 : i32
    %sign3A_237 = arith.constant 0 : i32
    %sign3A_238 = arith.cmpi sgt, %jit3A_228, %sign3A_237 : i32
    %sign3A_239 = arith.extui %sign3A_238 : i1 to i32
    %sign3A_240 = arith.constant 0 : i32
    %sign3A_241 = arith.cmpi slt, %jit3A_228, %sign3A_240 : i32
    %sign3A_242 = arith.extui %sign3A_241 : i1 to i32
    %sign3A_243 = arith.subi %sign3A_239, %sign3A_242 : i32
    %ne3A_244 = arith.cmpi ne, %sign3A_236, %sign3A_243 : i32
    %rem3A_245 = arith.remsi %multiple_of3A_227, %jit3A_228 : i32
    %ne3A_246 = arith.constant 0 : i32
    %ne3A_247 = arith.cmpi ne, %rem3A_245, %ne3A_246 : i32
    %and3A_248 = arith.andi %ne3A_244, %ne3A_247 : i1
    %sub3A_249 = arith.constant 1 : i32
    %sub3A_250 = arith.subi %div3A_229, %sub3A_249 : i32
    %select_n3A_251 = arith.select %and3A_248, %sub3A_250, %div3A_229 : i32
    %multiple_of3A_252 = tpu.assume_multiple %select_n3A_251, 8 : i32
    %dma_start3A_253 = arith.constant 0 : i32
    %dma_start3A_254 = tpu.memref_slice %arg3[%multiple_of3A_252, %dma_start3A_253] : memref<32768x128xi32, #tpu.memory_space<hbm>> -> memref<8x128xi32, #tpu.memory_space<hbm>>
    %dma_start3A_255 = arith.constant 0 : i32
    %dma_start3A_256 = tpu.memref_slice %arg3[%multiple_of3A_252, %dma_start3A_255] : memref<32768x128xi32, #tpu.memory_space<hbm>> -> memref<8x128xi32, #tpu.memory_space<hbm>>
    tpu.enqueue_dma source(%dma_start3A_256 : memref<8x128xi32, #tpu.memory_space<hbm>>) target(%arg8 : memref<8x128xi32, #tpu.memory_space<vmem>>) target_semaphore(%arg23 : memref<!tpu.dma_semaphore, #tpu.memory_space<semaphore_mem>>)
    %dma_start3A_257 = arith.constant 0 : i32
    %dma_start3A_258 = tpu.memref_slice %arg4[%multiple_of3A_252, %dma_start3A_257] : memref<32768x128xi32, #tpu.memory_space<hbm>> -> memref<8x128xi32, #tpu.memory_space<hbm>>
    %dma_start3A_259 = arith.constant 0 : i32
    %dma_start3A_260 = tpu.memref_slice %arg4[%multiple_of3A_252, %dma_start3A_259] : memref<32768x128xi32, #tpu.memory_space<hbm>> -> memref<8x128xi32, #tpu.memory_space<hbm>>
    tpu.enqueue_dma source(%dma_start3A_260 : memref<8x128xi32, #tpu.memory_space<hbm>>) target(%arg12 : memref<8x128xi32, #tpu.memory_space<vmem>>) target_semaphore(%arg23 : memref<!tpu.dma_semaphore, #tpu.memory_space<semaphore_mem>>)
    %dma_start3A_261 = tpu.memref_slice %arg5[%multiple_of3A_227] : memref<4194304xf32, #tpu.memory_space<hbm>> -> memref<1024xf32, #tpu.memory_space<hbm>>
    %dma_start3A_262 = tpu.memref_slice %arg5[%multiple_of3A_227] : memref<4194304xf32, #tpu.memory_space<hbm>> -> memref<1024xf32, #tpu.memory_space<hbm>>
    tpu.enqueue_dma source(%dma_start3A_262 : memref<1024xf32, #tpu.memory_space<hbm>>) target(%arg16 : memref<1024xf32, #tpu.memory_space<vmem>>) target_semaphore(%arg23 : memref<!tpu.dma_semaphore, #tpu.memory_space<semaphore_mem>>)
    %mul3A_263 = arith.constant 262144 : i32
    %mul3A_264 = arith.muli %arg1, %mul3A_263 : i32
    %add3A_265 = arith.constant 2048 : i32
    %add3A_266 = arith.addi %mul3A_264, %add3A_265 : i32
    %multiple_of3A_267 = tpu.assume_multiple %add3A_266, 1024 : i32
    %jit3A_268 = arith.constant 128 : i32
    %div3A_269 = arith.divsi %multiple_of3A_267, %jit3A_268 : i32
    %sign3A_270 = arith.constant 0 : i32
    %sign3A_271 = arith.cmpi sgt, %multiple_of3A_267, %sign3A_270 : i32
    %sign3A_272 = arith.extui %sign3A_271 : i1 to i32
    %sign3A_273 = arith.constant 0 : i32
    %sign3A_274 = arith.cmpi slt, %multiple_of3A_267, %sign3A_273 : i32
    %sign3A_275 = arith.extui %sign3A_274 : i1 to i32
    %sign3A_276 = arith.subi %sign3A_272, %sign3A_275 : i32
    %sign3A_277 = arith.constant 0 : i32
    %sign3A_278 = arith.cmpi sgt, %jit3A_268, %sign3A_277 : i32
    %sign3A_279 = arith.extui %sign3A_278 : i1 to i32
    %sign3A_280 = arith.constant 0 : i32
    %sign3A_281 = arith.cmpi slt, %jit3A_268, %sign3A_280 : i32
    %sign3A_282 = arith.extui %sign3A_281 : i1 to i32
    %sign3A_283 = arith.subi %sign3A_279, %sign3A_282 : i32
    %ne3A_284 = arith.cmpi ne, %sign3A_276, %sign3A_283 : i32
    %rem3A_285 = arith.remsi %multiple_of3A_267, %jit3A_268 : i32
    %ne3A_286 = arith.constant 0 : i32
    %ne3A_287 = arith.cmpi ne, %rem3A_285, %ne3A_286 : i32
    %and3A_288 = arith.andi %ne3A_284, %ne3A_287 : i1
    %sub3A_289 = arith.constant 1 : i32
    %sub3A_290 = arith.subi %div3A_269, %sub3A_289 : i32
    %select_n3A_291 = arith.select %and3A_288, %sub3A_290, %div3A_269 : i32
    %multiple_of3A_292 = tpu.assume_multiple %select_n3A_291, 8 : i32
    %dma_start3A_293 = arith.constant 0 : i32
    %dma_start3A_294 = tpu.memref_slice %arg3[%multiple_of3A_292, %dma_start3A_293] : memref<32768x128xi32, #tpu.memory_space<hbm>> -> memref<8x128xi32, #tpu.memory_space<hbm>>
    %dma_start3A_295 = arith.constant 0 : i32
    %dma_start3A_296 = tpu.memref_slice %arg3[%multiple_of3A_292, %dma_start3A_295] : memref<32768x128xi32, #tpu.memory_space<hbm>> -> memref<8x128xi32, #tpu.memory_space<hbm>>
    tpu.enqueue_dma source(%dma_start3A_296 : memref<8x128xi32, #tpu.memory_space<hbm>>) target(%arg9 : memref<8x128xi32, #tpu.memory_space<vmem>>) target_semaphore(%arg24 : memref<!tpu.dma_semaphore, #tpu.memory_space<semaphore_mem>>)
    %dma_start3A_297 = arith.constant 0 : i32
    %dma_start3A_298 = tpu.memref_slice %arg4[%multiple_of3A_292, %dma_start3A_297] : memref<32768x128xi32, #tpu.memory_space<hbm>> -> memref<8x128xi32, #tpu.memory_space<hbm>>
    %dma_start3A_299 = arith.constant 0 : i32
    %dma_start3A_300 = tpu.memref_slice %arg4[%multiple_of3A_292, %dma_start3A_299] : memref<32768x128xi32, #tpu.memory_space<hbm>> -> memref<8x128xi32, #tpu.memory_space<hbm>>
    tpu.enqueue_dma source(%dma_start3A_300 : memref<8x128xi32, #tpu.memory_space<hbm>>) target(%arg13 : memref<8x128xi32, #tpu.memory_space<vmem>>) target_semaphore(%arg24 : memref<!tpu.dma_semaphore, #tpu.memory_space<semaphore_mem>>)
    %dma_start3A_301 = tpu.memref_slice %arg5[%multiple_of3A_267] : memref<4194304xf32, #tpu.memory_space<hbm>> -> memref<1024xf32, #tpu.memory_space<hbm>>
    %dma_start3A_302 = tpu.memref_slice %arg5[%multiple_of3A_267] : memref<4194304xf32, #tpu.memory_space<hbm>> -> memref<1024xf32, #tpu.memory_space<hbm>>
    tpu.enqueue_dma source(%dma_start3A_302 : memref<1024xf32, #tpu.memory_space<hbm>>) target(%arg17 : memref<1024xf32, #tpu.memory_space<vmem>>) target_semaphore(%arg24 : memref<!tpu.dma_semaphore, #tpu.memory_space<semaphore_mem>>)
    %dma_wait3A_303 = arith.constant 0 : i32
    %dma_wait3A_304 = arith.constant 0 : i32
    %dma_wait3A_305 = tpu.memref_slice %arg3[%dma_wait3A_303, %dma_wait3A_304] : memref<32768x128xi32, #tpu.memory_space<hbm>> -> memref<8x128xi32, #tpu.memory_space<hbm>>
    %dma_wait3A_306 = arith.constant 0 : i32
    %dma_wait3A_307 = arith.constant 0 : i32
    %dma_wait3A_308 = tpu.memref_slice %arg3[%dma_wait3A_306, %dma_wait3A_307] : memref<32768x128xi32, #tpu.memory_space<hbm>> -> memref<8x128xi32, #tpu.memory_space<hbm>>
    tpu.wait_dma2 semaphore(%arg22 : memref<!tpu.dma_semaphore, #tpu.memory_space<semaphore_mem>>) src(%dma_wait3A_308 : memref<8x128xi32, #tpu.memory_space<hbm>>) dst(%arg7 : memref<8x128xi32, #tpu.memory_space<vmem>>)
    %dma_wait3A_309 = arith.constant 0 : i32
    %dma_wait3A_310 = arith.constant 0 : i32
    %dma_wait3A_311 = tpu.memref_slice %arg4[%dma_wait3A_309, %dma_wait3A_310] : memref<32768x128xi32, #tpu.memory_space<hbm>> -> memref<8x128xi32, #tpu.memory_space<hbm>>
    %dma_wait3A_312 = arith.constant 0 : i32
    %dma_wait3A_313 = arith.constant 0 : i32
    %dma_wait3A_314 = tpu.memref_slice %arg4[%dma_wait3A_312, %dma_wait3A_313] : memref<32768x128xi32, #tpu.memory_space<hbm>> -> memref<8x128xi32, #tpu.memory_space<hbm>>
    tpu.wait_dma2 semaphore(%arg22 : memref<!tpu.dma_semaphore, #tpu.memory_space<semaphore_mem>>) src(%dma_wait3A_314 : memref<8x128xi32, #tpu.memory_space<hbm>>) dst(%arg11 : memref<8x128xi32, #tpu.memory_space<vmem>>)
    %dma_wait3A_315 = arith.constant 0 : i32
    %dma_wait3A_316 = tpu.memref_slice %arg5[%dma_wait3A_315] : memref<4194304xf32, #tpu.memory_space<hbm>> -> memref<1024xf32, #tpu.memory_space<hbm>>
    %dma_wait3A_317 = arith.constant 0 : i32
    %dma_wait3A_318 = tpu.memref_slice %arg5[%dma_wait3A_317] : memref<4194304xf32, #tpu.memory_space<hbm>> -> memref<1024xf32, #tpu.memory_space<hbm>>
    tpu.wait_dma2 semaphore(%arg22 : memref<!tpu.dma_semaphore, #tpu.memory_space<semaphore_mem>>) src(%dma_wait3A_318 : memref<1024xf32, #tpu.memory_space<hbm>>) dst(%arg15 : memref<1024xf32, #tpu.memory_space<vmem>>)
    %scan3A_319 = arith.constant 0 : i32
    %scan3A_320 = arith.constant 64 : i32
    %scan3A_321 = arith.addi %scan3A_319, %scan3A_320 : i32
    %scan3A_322 = arith.constant 1 : i32
    scf.for %scan3A_329 = %scan3A_319 to %scan3A_321 step %scan3A_322  : i32 {
      %mul3A_330 = arith.constant 4 : i32
      %mul3A_331 = arith.muli %scan3A_329, %mul3A_330 : i32
      %add3A_332 = arith.constant 0 : i32
      %add3A_333 = arith.addi %add3A_332, %mul3A_331 : i32
      %add3A_334 = arith.constant 0 : i32
      %add3A_335 = arith.addi %add3A_333, %add3A_334 : i32
      %add3A_336 = arith.constant 3 : i32
      %add3A_337 = arith.addi %add3A_335, %add3A_336 : i32
      %lt3A = arith.constant 256 : i32
      %lt3A_338 = arith.cmpi slt, %add3A_337, %lt3A : i32
      %convert_element_type3A = arith.extui %lt3A_338 : i1 to i32
      %cond3A = arith.constant 0 : i32
      %cond3A_339 = arith.cmpi ne, %convert_element_type3A, %cond3A : i32
      scf.if %cond3A_339 {
        %add3A_395 = arith.constant 3 : i32
        %add3A_396 = arith.addi %add3A_335, %add3A_395 : i32
        %mul3A_397 = arith.constant 262144 : i32
        %mul3A_398 = arith.muli %arg1, %mul3A_397 : i32
        %mul3A_399 = arith.constant 1024 : i32
        %mul3A_400 = arith.muli %add3A_396, %mul3A_399 : i32
        %add3A_401 = arith.addi %mul3A_398, %mul3A_400 : i32
        %multiple_of3A_402 = tpu.assume_multiple %add3A_401, 1024 : i32
        %jit3A_403 = arith.constant 128 : i32
        %div3A_404 = arith.divsi %multiple_of3A_402, %jit3A_403 : i32
        %sign3A_405 = arith.constant 0 : i32
        %sign3A_406 = arith.cmpi sgt, %multiple_of3A_402, %sign3A_405 : i32
        %sign3A_407 = arith.extui %sign3A_406 : i1 to i32
        %sign3A_408 = arith.constant 0 : i32
        %sign3A_409 = arith.cmpi slt, %multiple_of3A_402, %sign3A_408 : i32
        %sign3A_410 = arith.extui %sign3A_409 : i1 to i32
        %sign3A_411 = arith.subi %sign3A_407, %sign3A_410 : i32
        %sign3A_412 = arith.constant 0 : i32
        %sign3A_413 = arith.cmpi sgt, %jit3A_403, %sign3A_412 : i32
        %sign3A_414 = arith.extui %sign3A_413 : i1 to i32
        %sign3A_415 = arith.constant 0 : i32
        %sign3A_416 = arith.cmpi slt, %jit3A_403, %sign3A_415 : i32
        %sign3A_417 = arith.extui %sign3A_416 : i1 to i32
        %sign3A_418 = arith.subi %sign3A_414, %sign3A_417 : i32
        %ne3A_419 = arith.cmpi ne, %sign3A_411, %sign3A_418 : i32
        %rem3A_420 = arith.remsi %multiple_of3A_402, %jit3A_403 : i32
        %ne3A_421 = arith.constant 0 : i32
        %ne3A_422 = arith.cmpi ne, %rem3A_420, %ne3A_421 : i32
        %and3A_423 = arith.andi %ne3A_419, %ne3A_422 : i1
        %sub3A_424 = arith.constant 1 : i32
        %sub3A_425 = arith.subi %div3A_404, %sub3A_424 : i32
        %select_n3A_426 = arith.select %and3A_423, %sub3A_425, %div3A_404 : i32
        %multiple_of3A_427 = tpu.assume_multiple %select_n3A_426, 8 : i32
        %dma_start3A_428 = arith.constant 0 : i32
        %dma_start3A_429 = tpu.memref_slice %arg3[%multiple_of3A_427, %dma_start3A_428] : memref<32768x128xi32, #tpu.memory_space<hbm>> -> memref<8x128xi32, #tpu.memory_space<hbm>>
        %dma_start3A_430 = arith.constant 0 : i32
        %dma_start3A_431 = tpu.memref_slice %arg3[%multiple_of3A_427, %dma_start3A_430] : memref<32768x128xi32, #tpu.memory_space<hbm>> -> memref<8x128xi32, #tpu.memory_space<hbm>>
        tpu.enqueue_dma source(%dma_start3A_431 : memref<8x128xi32, #tpu.memory_space<hbm>>) target(%arg10 : memref<8x128xi32, #tpu.memory_space<vmem>>) target_semaphore(%arg25 : memref<!tpu.dma_semaphore, #tpu.memory_space<semaphore_mem>>)
        %dma_start3A_432 = arith.constant 0 : i32
        %dma_start3A_433 = tpu.memref_slice %arg4[%multiple_of3A_427, %dma_start3A_432] : memref<32768x128xi32, #tpu.memory_space<hbm>> -> memref<8x128xi32, #tpu.memory_space<hbm>>
        %dma_start3A_434 = arith.constant 0 : i32
        %dma_start3A_435 = tpu.memref_slice %arg4[%multiple_of3A_427, %dma_start3A_434] : memref<32768x128xi32, #tpu.memory_space<hbm>> -> memref<8x128xi32, #tpu.memory_space<hbm>>
        tpu.enqueue_dma source(%dma_start3A_435 : memref<8x128xi32, #tpu.memory_space<hbm>>) target(%arg14 : memref<8x128xi32, #tpu.memory_space<vmem>>) target_semaphore(%arg25 : memref<!tpu.dma_semaphore, #tpu.memory_space<semaphore_mem>>)
        %dma_start3A_436 = tpu.memref_slice %arg5[%multiple_of3A_402] : memref<4194304xf32, #tpu.memory_space<hbm>> -> memref<1024xf32, #tpu.memory_space<hbm>>
        %dma_start3A_437 = tpu.memref_slice %arg5[%multiple_of3A_402] : memref<4194304xf32, #tpu.memory_space<hbm>> -> memref<1024xf32, #tpu.memory_space<hbm>>
        tpu.enqueue_dma source(%dma_start3A_437 : memref<1024xf32, #tpu.memory_space<hbm>>) target(%arg18 : memref<1024xf32, #tpu.memory_space<vmem>>) target_semaphore(%arg25 : memref<!tpu.dma_semaphore, #tpu.memory_space<semaphore_mem>>)
      } else {
      }
      %add3A_340 = arith.constant 1 : i32
      %add3A_341 = arith.addi %add3A_335, %add3A_340 : i32
      %lt3A_342 = arith.constant 256 : i32
      %lt3A_343 = arith.cmpi slt, %add3A_341, %lt3A_342 : i32
      %convert_element_type3A_344 = arith.extui %lt3A_343 : i1 to i32
      %cond3A_345 = arith.constant 0 : i32
      %cond3A_346 = arith.cmpi ne, %convert_element_type3A_344, %cond3A_345 : i32
      scf.if %cond3A_346 {
        %dma_wait3A_395 = arith.constant 0 : i32
        %dma_wait3A_396 = arith.constant 0 : i32
        %dma_wait3A_397 = tpu.memref_slice %arg3[%dma_wait3A_395, %dma_wait3A_396] : memref<32768x128xi32, #tpu.memory_space<hbm>> -> memref<8x128xi32, #tpu.memory_space<hbm>>
        %dma_wait3A_398 = arith.constant 0 : i32
        %dma_wait3A_399 = arith.constant 0 : i32
        %dma_wait3A_400 = tpu.memref_slice %arg3[%dma_wait3A_398, %dma_wait3A_399] : memref<32768x128xi32, #tpu.memory_space<hbm>> -> memref<8x128xi32, #tpu.memory_space<hbm>>
        tpu.wait_dma2 semaphore(%arg23 : memref<!tpu.dma_semaphore, #tpu.memory_space<semaphore_mem>>) src(%dma_wait3A_400 : memref<8x128xi32, #tpu.memory_space<hbm>>) dst(%arg8 : memref<8x128xi32, #tpu.memory_space<vmem>>)
        %dma_wait3A_401 = arith.constant 0 : i32
        %dma_wait3A_402 = arith.constant 0 : i32
        %dma_wait3A_403 = tpu.memref_slice %arg4[%dma_wait3A_401, %dma_wait3A_402] : memref<32768x128xi32, #tpu.memory_space<hbm>> -> memref<8x128xi32, #tpu.memory_space<hbm>>
        %dma_wait3A_404 = arith.constant 0 : i32
        %dma_wait3A_405 = arith.constant 0 : i32
        %dma_wait3A_406 = tpu.memref_slice %arg4[%dma_wait3A_404, %dma_wait3A_405] : memref<32768x128xi32, #tpu.memory_space<hbm>> -> memref<8x128xi32, #tpu.memory_space<hbm>>
        tpu.wait_dma2 semaphore(%arg23 : memref<!tpu.dma_semaphore, #tpu.memory_space<semaphore_mem>>) src(%dma_wait3A_406 : memref<8x128xi32, #tpu.memory_space<hbm>>) dst(%arg12 : memref<8x128xi32, #tpu.memory_space<vmem>>)
        %dma_wait3A_407 = arith.constant 0 : i32
        %dma_wait3A_408 = tpu.memref_slice %arg5[%dma_wait3A_407] : memref<4194304xf32, #tpu.memory_space<hbm>> -> memref<1024xf32, #tpu.memory_space<hbm>>
        %dma_wait3A_409 = arith.constant 0 : i32
        %dma_wait3A_410 = tpu.memref_slice %arg5[%dma_wait3A_409] : memref<4194304xf32, #tpu.memory_space<hbm>> -> memref<1024xf32, #tpu.memory_space<hbm>>
        tpu.wait_dma2 semaphore(%arg23 : memref<!tpu.dma_semaphore, #tpu.memory_space<semaphore_mem>>) src(%dma_wait3A_410 : memref<1024xf32, #tpu.memory_space<hbm>>) dst(%arg16 : memref<1024xf32, #tpu.memory_space<vmem>>)
      } else {
      }
      %add3A_347 = arith.constant 1 : i32
      %add3A_348 = arith.addi %add3A_333, %add3A_347 : i32
      %add3A_349 = arith.constant 3 : i32
      %add3A_350 = arith.addi %add3A_348, %add3A_349 : i32
      %lt3A_351 = arith.constant 256 : i32
      %lt3A_352 = arith.cmpi slt, %add3A_350, %lt3A_351 : i32
      %convert_element_type3A_353 = arith.extui %lt3A_352 : i1 to i32
      %cond3A_354 = arith.constant 0 : i32
      %cond3A_355 = arith.cmpi ne, %convert_element_type3A_353, %cond3A_354 : i32
      scf.if %cond3A_355 {
        %add3A_395 = arith.constant 3 : i32
        %add3A_396 = arith.addi %add3A_348, %add3A_395 : i32
        %mul3A_397 = arith.constant 262144 : i32
        %mul3A_398 = arith.muli %arg1, %mul3A_397 : i32
        %mul3A_399 = arith.constant 1024 : i32
        %mul3A_400 = arith.muli %add3A_396, %mul3A_399 : i32
        %add3A_401 = arith.addi %mul3A_398, %mul3A_400 : i32
        %multiple_of3A_402 = tpu.assume_multiple %add3A_401, 1024 : i32
        %jit3A_403 = arith.constant 128 : i32
        %div3A_404 = arith.divsi %multiple_of3A_402, %jit3A_403 : i32
        %sign3A_405 = arith.constant 0 : i32
        %sign3A_406 = arith.cmpi sgt, %multiple_of3A_402, %sign3A_405 : i32
        %sign3A_407 = arith.extui %sign3A_406 : i1 to i32
        %sign3A_408 = arith.constant 0 : i32
        %sign3A_409 = arith.cmpi slt, %multiple_of3A_402, %sign3A_408 : i32
        %sign3A_410 = arith.extui %sign3A_409 : i1 to i32
        %sign3A_411 = arith.subi %sign3A_407, %sign3A_410 : i32
        %sign3A_412 = arith.constant 0 : i32
        %sign3A_413 = arith.cmpi sgt, %jit3A_403, %sign3A_412 : i32
        %sign3A_414 = arith.extui %sign3A_413 : i1 to i32
        %sign3A_415 = arith.constant 0 : i32
        %sign3A_416 = arith.cmpi slt, %jit3A_403, %sign3A_415 : i32
        %sign3A_417 = arith.extui %sign3A_416 : i1 to i32
        %sign3A_418 = arith.subi %sign3A_414, %sign3A_417 : i32
        %ne3A_419 = arith.cmpi ne, %sign3A_411, %sign3A_418 : i32
        %rem3A_420 = arith.remsi %multiple_of3A_402, %jit3A_403 : i32
        %ne3A_421 = arith.constant 0 : i32
        %ne3A_422 = arith.cmpi ne, %rem3A_420, %ne3A_421 : i32
        %and3A_423 = arith.andi %ne3A_419, %ne3A_422 : i1
        %sub3A_424 = arith.constant 1 : i32
        %sub3A_425 = arith.subi %div3A_404, %sub3A_424 : i32
        %select_n3A_426 = arith.select %and3A_423, %sub3A_425, %div3A_404 : i32
        %multiple_of3A_427 = tpu.assume_multiple %select_n3A_426, 8 : i32
        %dma_start3A_428 = arith.constant 0 : i32
        %dma_start3A_429 = tpu.memref_slice %arg3[%multiple_of3A_427, %dma_start3A_428] : memref<32768x128xi32, #tpu.memory_space<hbm>> -> memref<8x128xi32, #tpu.memory_space<hbm>>
        %dma_start3A_430 = arith.constant 0 : i32
        %dma_start3A_431 = tpu.memref_slice %arg3[%multiple_of3A_427, %dma_start3A_430] : memref<32768x128xi32, #tpu.memory_space<hbm>> -> memref<8x128xi32, #tpu.memory_space<hbm>>
        tpu.enqueue_dma source(%dma_start3A_431 : memref<8x128xi32, #tpu.memory_space<hbm>>) target(%arg7 : memref<8x128xi32, #tpu.memory_space<vmem>>) target_semaphore(%arg22 : memref<!tpu.dma_semaphore, #tpu.memory_space<semaphore_mem>>)
        %dma_start3A_432 = arith.constant 0 : i32
        %dma_start3A_433 = tpu.memref_slice %arg4[%multiple_of3A_427, %dma_start3A_432] : memref<32768x128xi32, #tpu.memory_space<hbm>> -> memref<8x128xi32, #tpu.memory_space<hbm>>
        %dma_start3A_434 = arith.constant 0 : i32
        %dma_start3A_435 = tpu.memref_slice %arg4[%multiple_of3A_427, %dma_start3A_434] : memref<32768x128xi32, #tpu.memory_space<hbm>> -> memref<8x128xi32, #tpu.memory_space<hbm>>
        tpu.enqueue_dma source(%dma_start3A_435 : memref<8x128xi32, #tpu.memory_space<hbm>>) target(%arg11 : memref<8x128xi32, #tpu.memory_space<vmem>>) target_semaphore(%arg22 : memref<!tpu.dma_semaphore, #tpu.memory_space<semaphore_mem>>)
        %dma_start3A_436 = tpu.memref_slice %arg5[%multiple_of3A_402] : memref<4194304xf32, #tpu.memory_space<hbm>> -> memref<1024xf32, #tpu.memory_space<hbm>>
        %dma_start3A_437 = tpu.memref_slice %arg5[%multiple_of3A_402] : memref<4194304xf32, #tpu.memory_space<hbm>> -> memref<1024xf32, #tpu.memory_space<hbm>>
        tpu.enqueue_dma source(%dma_start3A_437 : memref<1024xf32, #tpu.memory_space<hbm>>) target(%arg15 : memref<1024xf32, #tpu.memory_space<vmem>>) target_semaphore(%arg22 : memref<!tpu.dma_semaphore, #tpu.memory_space<semaphore_mem>>)
      } else {
      }
      %add3A_356 = arith.constant 1 : i32
      %add3A_357 = arith.addi %add3A_348, %add3A_356 : i32
      %lt3A_358 = arith.constant 256 : i32
      %lt3A_359 = arith.cmpi slt, %add3A_357, %lt3A_358 : i32
      %convert_element_type3A_360 = arith.extui %lt3A_359 : i1 to i32
      %cond3A_361 = arith.constant 0 : i32
      %cond3A_362 = arith.cmpi ne, %convert_element_type3A_360, %cond3A_361 : i32
      scf.if %cond3A_362 {
        %dma_wait3A_395 = arith.constant 0 : i32
        %dma_wait3A_396 = arith.constant 0 : i32
        %dma_wait3A_397 = tpu.memref_slice %arg3[%dma_wait3A_395, %dma_wait3A_396] : memref<32768x128xi32, #tpu.memory_space<hbm>> -> memref<8x128xi32, #tpu.memory_space<hbm>>
        %dma_wait3A_398 = arith.constant 0 : i32
        %dma_wait3A_399 = arith.constant 0 : i32
        %dma_wait3A_400 = tpu.memref_slice %arg3[%dma_wait3A_398, %dma_wait3A_399] : memref<32768x128xi32, #tpu.memory_space<hbm>> -> memref<8x128xi32, #tpu.memory_space<hbm>>
        tpu.wait_dma2 semaphore(%arg24 : memref<!tpu.dma_semaphore, #tpu.memory_space<semaphore_mem>>) src(%dma_wait3A_400 : memref<8x128xi32, #tpu.memory_space<hbm>>) dst(%arg9 : memref<8x128xi32, #tpu.memory_space<vmem>>)
        %dma_wait3A_401 = arith.constant 0 : i32
        %dma_wait3A_402 = arith.constant 0 : i32
        %dma_wait3A_403 = tpu.memref_slice %arg4[%dma_wait3A_401, %dma_wait3A_402] : memref<32768x128xi32, #tpu.memory_space<hbm>> -> memref<8x128xi32, #tpu.memory_space<hbm>>
        %dma_wait3A_404 = arith.constant 0 : i32
        %dma_wait3A_405 = arith.constant 0 : i32
        %dma_wait3A_406 = tpu.memref_slice %arg4[%dma_wait3A_404, %dma_wait3A_405] : memref<32768x128xi32, #tpu.memory_space<hbm>> -> memref<8x128xi32, #tpu.memory_space<hbm>>
        tpu.wait_dma2 semaphore(%arg24 : memref<!tpu.dma_semaphore, #tpu.memory_space<semaphore_mem>>) src(%dma_wait3A_406 : memref<8x128xi32, #tpu.memory_space<hbm>>) dst(%arg13 : memref<8x128xi32, #tpu.memory_space<vmem>>)
        %dma_wait3A_407 = arith.constant 0 : i32
        %dma_wait3A_408 = tpu.memref_slice %arg5[%dma_wait3A_407] : memref<4194304xf32, #tpu.memory_space<hbm>> -> memref<1024xf32, #tpu.memory_space<hbm>>
        %dma_wait3A_409 = arith.constant 0 : i32
        %dma_wait3A_410 = tpu.memref_slice %arg5[%dma_wait3A_409] : memref<4194304xf32, #tpu.memory_space<hbm>> -> memref<1024xf32, #tpu.memory_space<hbm>>
        tpu.wait_dma2 semaphore(%arg24 : memref<!tpu.dma_semaphore, #tpu.memory_space<semaphore_mem>>) src(%dma_wait3A_410 : memref<1024xf32, #tpu.memory_space<hbm>>) dst(%arg17 : memref<1024xf32, #tpu.memory_space<vmem>>)
      } else {
      }
      %add3A_363 = arith.constant 2 : i32
      %add3A_364 = arith.addi %add3A_333, %add3A_363 : i32
      %add3A_365 = arith.constant 3 : i32
      %add3A_366 = arith.addi %add3A_364, %add3A_365 : i32
      %lt3A_367 = arith.constant 256 : i32
      %lt3A_368 = arith.cmpi slt, %add3A_366, %lt3A_367 : i32
      %convert_element_type3A_369 = arith.extui %lt3A_368 : i1 to i32
      %cond3A_370 = arith.constant 0 : i32
      %cond3A_371 = arith.cmpi ne, %convert_element_type3A_369, %cond3A_370 : i32
      scf.if %cond3A_371 {
        %add3A_395 = arith.constant 3 : i32
        %add3A_396 = arith.addi %add3A_364, %add3A_395 : i32
        %mul3A_397 = arith.constant 262144 : i32
        %mul3A_398 = arith.muli %arg1, %mul3A_397 : i32
        %mul3A_399 = arith.constant 1024 : i32
        %mul3A_400 = arith.muli %add3A_396, %mul3A_399 : i32
        %add3A_401 = arith.addi %mul3A_398, %mul3A_400 : i32
        %multiple_of3A_402 = tpu.assume_multiple %add3A_401, 1024 : i32
        %jit3A_403 = arith.constant 128 : i32
        %div3A_404 = arith.divsi %multiple_of3A_402, %jit3A_403 : i32
        %sign3A_405 = arith.constant 0 : i32
        %sign3A_406 = arith.cmpi sgt, %multiple_of3A_402, %sign3A_405 : i32
        %sign3A_407 = arith.extui %sign3A_406 : i1 to i32
        %sign3A_408 = arith.constant 0 : i32
        %sign3A_409 = arith.cmpi slt, %multiple_of3A_402, %sign3A_408 : i32
        %sign3A_410 = arith.extui %sign3A_409 : i1 to i32
        %sign3A_411 = arith.subi %sign3A_407, %sign3A_410 : i32
        %sign3A_412 = arith.constant 0 : i32
        %sign3A_413 = arith.cmpi sgt, %jit3A_403, %sign3A_412 : i32
        %sign3A_414 = arith.extui %sign3A_413 : i1 to i32
        %sign3A_415 = arith.constant 0 : i32
        %sign3A_416 = arith.cmpi slt, %jit3A_403, %sign3A_415 : i32
        %sign3A_417 = arith.extui %sign3A_416 : i1 to i32
        %sign3A_418 = arith.subi %sign3A_414, %sign3A_417 : i32
        %ne3A_419 = arith.cmpi ne, %sign3A_411, %sign3A_418 : i32
        %rem3A_420 = arith.remsi %multiple_of3A_402, %jit3A_403 : i32
        %ne3A_421 = arith.constant 0 : i32
        %ne3A_422 = arith.cmpi ne, %rem3A_420, %ne3A_421 : i32
        %and3A_423 = arith.andi %ne3A_419, %ne3A_422 : i1
        %sub3A_424 = arith.constant 1 : i32
        %sub3A_425 = arith.subi %div3A_404, %sub3A_424 : i32
        %select_n3A_426 = arith.select %and3A_423, %sub3A_425, %div3A_404 : i32
        %multiple_of3A_427 = tpu.assume_multiple %select_n3A_426, 8 : i32
        %dma_start3A_428 = arith.constant 0 : i32
        %dma_start3A_429 = tpu.memref_slice %arg3[%multiple_of3A_427, %dma_start3A_428] : memref<32768x128xi32, #tpu.memory_space<hbm>> -> memref<8x128xi32, #tpu.memory_space<hbm>>
        %dma_start3A_430 = arith.constant 0 : i32
        %dma_start3A_431 = tpu.memref_slice %arg3[%multiple_of3A_427, %dma_start3A_430] : memref<32768x128xi32, #tpu.memory_space<hbm>> -> memref<8x128xi32, #tpu.memory_space<hbm>>
        tpu.enqueue_dma source(%dma_start3A_431 : memref<8x128xi32, #tpu.memory_space<hbm>>) target(%arg8 : memref<8x128xi32, #tpu.memory_space<vmem>>) target_semaphore(%arg23 : memref<!tpu.dma_semaphore, #tpu.memory_space<semaphore_mem>>)
        %dma_start3A_432 = arith.constant 0 : i32
        %dma_start3A_433 = tpu.memref_slice %arg4[%multiple_of3A_427, %dma_start3A_432] : memref<32768x128xi32, #tpu.memory_space<hbm>> -> memref<8x128xi32, #tpu.memory_space<hbm>>
        %dma_start3A_434 = arith.constant 0 : i32
        %dma_start3A_435 = tpu.memref_slice %arg4[%multiple_of3A_427, %dma_start3A_434] : memref<32768x128xi32, #tpu.memory_space<hbm>> -> memref<8x128xi32, #tpu.memory_space<hbm>>
        tpu.enqueue_dma source(%dma_start3A_435 : memref<8x128xi32, #tpu.memory_space<hbm>>) target(%arg12 : memref<8x128xi32, #tpu.memory_space<vmem>>) target_semaphore(%arg23 : memref<!tpu.dma_semaphore, #tpu.memory_space<semaphore_mem>>)
        %dma_start3A_436 = tpu.memref_slice %arg5[%multiple_of3A_402] : memref<4194304xf32, #tpu.memory_space<hbm>> -> memref<1024xf32, #tpu.memory_space<hbm>>
        %dma_start3A_437 = tpu.memref_slice %arg5[%multiple_of3A_402] : memref<4194304xf32, #tpu.memory_space<hbm>> -> memref<1024xf32, #tpu.memory_space<hbm>>
        tpu.enqueue_dma source(%dma_start3A_437 : memref<1024xf32, #tpu.memory_space<hbm>>) target(%arg16 : memref<1024xf32, #tpu.memory_space<vmem>>) target_semaphore(%arg23 : memref<!tpu.dma_semaphore, #tpu.memory_space<semaphore_mem>>)
      } else {
      }
      %add3A_372 = arith.constant 1 : i32
      %add3A_373 = arith.addi %add3A_364, %add3A_372 : i32
      %lt3A_374 = arith.constant 256 : i32
      %lt3A_375 = arith.cmpi slt, %add3A_373, %lt3A_374 : i32
      %convert_element_type3A_376 = arith.extui %lt3A_375 : i1 to i32
      %cond3A_377 = arith.constant 0 : i32
      %cond3A_378 = arith.cmpi ne, %convert_element_type3A_376, %cond3A_377 : i32
      scf.if %cond3A_378 {
        %dma_wait3A_395 = arith.constant 0 : i32
        %dma_wait3A_396 = arith.constant 0 : i32
        %dma_wait3A_397 = tpu.memref_slice %arg3[%dma_wait3A_395, %dma_wait3A_396] : memref<32768x128xi32, #tpu.memory_space<hbm>> -> memref<8x128xi32, #tpu.memory_space<hbm>>
        %dma_wait3A_398 = arith.constant 0 : i32
        %dma_wait3A_399 = arith.constant 0 : i32
        %dma_wait3A_400 = tpu.memref_slice %arg3[%dma_wait3A_398, %dma_wait3A_399] : memref<32768x128xi32, #tpu.memory_space<hbm>> -> memref<8x128xi32, #tpu.memory_space<hbm>>
        tpu.wait_dma2 semaphore(%arg25 : memref<!tpu.dma_semaphore, #tpu.memory_space<semaphore_mem>>) src(%dma_wait3A_400 : memref<8x128xi32, #tpu.memory_space<hbm>>) dst(%arg10 : memref<8x128xi32, #tpu.memory_space<vmem>>)
        %dma_wait3A_401 = arith.constant 0 : i32
        %dma_wait3A_402 = arith.constant 0 : i32
        %dma_wait3A_403 = tpu.memref_slice %arg4[%dma_wait3A_401, %dma_wait3A_402] : memref<32768x128xi32, #tpu.memory_space<hbm>> -> memref<8x128xi32, #tpu.memory_space<hbm>>
        %dma_wait3A_404 = arith.constant 0 : i32
        %dma_wait3A_405 = arith.constant 0 : i32
        %dma_wait3A_406 = tpu.memref_slice %arg4[%dma_wait3A_404, %dma_wait3A_405] : memref<32768x128xi32, #tpu.memory_space<hbm>> -> memref<8x128xi32, #tpu.memory_space<hbm>>
        tpu.wait_dma2 semaphore(%arg25 : memref<!tpu.dma_semaphore, #tpu.memory_space<semaphore_mem>>) src(%dma_wait3A_406 : memref<8x128xi32, #tpu.memory_space<hbm>>) dst(%arg14 : memref<8x128xi32, #tpu.memory_space<vmem>>)
        %dma_wait3A_407 = arith.constant 0 : i32
        %dma_wait3A_408 = tpu.memref_slice %arg5[%dma_wait3A_407] : memref<4194304xf32, #tpu.memory_space<hbm>> -> memref<1024xf32, #tpu.memory_space<hbm>>
        %dma_wait3A_409 = arith.constant 0 : i32
        %dma_wait3A_410 = tpu.memref_slice %arg5[%dma_wait3A_409] : memref<4194304xf32, #tpu.memory_space<hbm>> -> memref<1024xf32, #tpu.memory_space<hbm>>
        tpu.wait_dma2 semaphore(%arg25 : memref<!tpu.dma_semaphore, #tpu.memory_space<semaphore_mem>>) src(%dma_wait3A_410 : memref<1024xf32, #tpu.memory_space<hbm>>) dst(%arg18 : memref<1024xf32, #tpu.memory_space<vmem>>)
      } else {
      }
      %add3A_379 = arith.constant 3 : i32
      %add3A_380 = arith.addi %add3A_333, %add3A_379 : i32
      %add3A_381 = arith.constant 3 : i32
      %add3A_382 = arith.addi %add3A_380, %add3A_381 : i32
      %lt3A_383 = arith.constant 256 : i32
      %lt3A_384 = arith.cmpi slt, %add3A_382, %lt3A_383 : i32
      %convert_element_type3A_385 = arith.extui %lt3A_384 : i1 to i32
      %cond3A_386 = arith.constant 0 : i32
      %cond3A_387 = arith.cmpi ne, %convert_element_type3A_385, %cond3A_386 : i32
      scf.if %cond3A_387 {
        %add3A_395 = arith.constant 3 : i32
        %add3A_396 = arith.addi %add3A_380, %add3A_395 : i32
        %mul3A_397 = arith.constant 262144 : i32
        %mul3A_398 = arith.muli %arg1, %mul3A_397 : i32
        %mul3A_399 = arith.constant 1024 : i32
        %mul3A_400 = arith.muli %add3A_396, %mul3A_399 : i32
        %add3A_401 = arith.addi %mul3A_398, %mul3A_400 : i32
        %multiple_of3A_402 = tpu.assume_multiple %add3A_401, 1024 : i32
        %jit3A_403 = arith.constant 128 : i32
        %div3A_404 = arith.divsi %multiple_of3A_402, %jit3A_403 : i32
        %sign3A_405 = arith.constant 0 : i32
        %sign3A_406 = arith.cmpi sgt, %multiple_of3A_402, %sign3A_405 : i32
        %sign3A_407 = arith.extui %sign3A_406 : i1 to i32
        %sign3A_408 = arith.constant 0 : i32
        %sign3A_409 = arith.cmpi slt, %multiple_of3A_402, %sign3A_408 : i32
        %sign3A_410 = arith.extui %sign3A_409 : i1 to i32
        %sign3A_411 = arith.subi %sign3A_407, %sign3A_410 : i32
        %sign3A_412 = arith.constant 0 : i32
        %sign3A_413 = arith.cmpi sgt, %jit3A_403, %sign3A_412 : i32
        %sign3A_414 = arith.extui %sign3A_413 : i1 to i32
        %sign3A_415 = arith.constant 0 : i32
        %sign3A_416 = arith.cmpi slt, %jit3A_403, %sign3A_415 : i32
        %sign3A_417 = arith.extui %sign3A_416 : i1 to i32
        %sign3A_418 = arith.subi %sign3A_414, %sign3A_417 : i32
        %ne3A_419 = arith.cmpi ne, %sign3A_411, %sign3A_418 : i32
        %rem3A_420 = arith.remsi %multiple_of3A_402, %jit3A_403 : i32
        %ne3A_421 = arith.constant 0 : i32
        %ne3A_422 = arith.cmpi ne, %rem3A_420, %ne3A_421 : i32
        %and3A_423 = arith.andi %ne3A_419, %ne3A_422 : i1
        %sub3A_424 = arith.constant 1 : i32
        %sub3A_425 = arith.subi %div3A_404, %sub3A_424 : i32
        %select_n3A_426 = arith.select %and3A_423, %sub3A_425, %div3A_404 : i32
        %multiple_of3A_427 = tpu.assume_multiple %select_n3A_426, 8 : i32
        %dma_start3A_428 = arith.constant 0 : i32
        %dma_start3A_429 = tpu.memref_slice %arg3[%multiple_of3A_427, %dma_start3A_428] : memref<32768x128xi32, #tpu.memory_space<hbm>> -> memref<8x128xi32, #tpu.memory_space<hbm>>
        %dma_start3A_430 = arith.constant 0 : i32
        %dma_start3A_431 = tpu.memref_slice %arg3[%multiple_of3A_427, %dma_start3A_430] : memref<32768x128xi32, #tpu.memory_space<hbm>> -> memref<8x128xi32, #tpu.memory_space<hbm>>
        tpu.enqueue_dma source(%dma_start3A_431 : memref<8x128xi32, #tpu.memory_space<hbm>>) target(%arg9 : memref<8x128xi32, #tpu.memory_space<vmem>>) target_semaphore(%arg24 : memref<!tpu.dma_semaphore, #tpu.memory_space<semaphore_mem>>)
        %dma_start3A_432 = arith.constant 0 : i32
        %dma_start3A_433 = tpu.memref_slice %arg4[%multiple_of3A_427, %dma_start3A_432] : memref<32768x128xi32, #tpu.memory_space<hbm>> -> memref<8x128xi32, #tpu.memory_space<hbm>>
        %dma_start3A_434 = arith.constant 0 : i32
        %dma_start3A_435 = tpu.memref_slice %arg4[%multiple_of3A_427, %dma_start3A_434] : memref<32768x128xi32, #tpu.memory_space<hbm>> -> memref<8x128xi32, #tpu.memory_space<hbm>>
        tpu.enqueue_dma source(%dma_start3A_435 : memref<8x128xi32, #tpu.memory_space<hbm>>) target(%arg13 : memref<8x128xi32, #tpu.memory_space<vmem>>) target_semaphore(%arg24 : memref<!tpu.dma_semaphore, #tpu.memory_space<semaphore_mem>>)
        %dma_start3A_436 = tpu.memref_slice %arg5[%multiple_of3A_402] : memref<4194304xf32, #tpu.memory_space<hbm>> -> memref<1024xf32, #tpu.memory_space<hbm>>
        %dma_start3A_437 = tpu.memref_slice %arg5[%multiple_of3A_402] : memref<4194304xf32, #tpu.memory_space<hbm>> -> memref<1024xf32, #tpu.memory_space<hbm>>
        tpu.enqueue_dma source(%dma_start3A_437 : memref<1024xf32, #tpu.memory_space<hbm>>) target(%arg17 : memref<1024xf32, #tpu.memory_space<vmem>>) target_semaphore(%arg24 : memref<!tpu.dma_semaphore, #tpu.memory_space<semaphore_mem>>)
      } else {
      }
      %add3A_388 = arith.constant 1 : i32
      %add3A_389 = arith.addi %add3A_380, %add3A_388 : i32
      %lt3A_390 = arith.constant 256 : i32
      %lt3A_391 = arith.cmpi slt, %add3A_389, %lt3A_390 : i32
      %convert_element_type3A_392 = arith.extui %lt3A_391 : i1 to i32
      %cond3A_393 = arith.constant 0 : i32
      %cond3A_394 = arith.cmpi ne, %convert_element_type3A_392, %cond3A_393 : i32
      scf.if %cond3A_394 {
        %dma_wait3A_395 = arith.constant 0 : i32
        %dma_wait3A_396 = arith.constant 0 : i32
        %dma_wait3A_397 = tpu.memref_slice %arg3[%dma_wait3A_395, %dma_wait3A_396] : memref<32768x128xi32, #tpu.memory_space<hbm>> -> memref<8x128xi32, #tpu.memory_space<hbm>>
        %dma_wait3A_398 = arith.constant 0 : i32
        %dma_wait3A_399 = arith.constant 0 : i32
        %dma_wait3A_400 = tpu.memref_slice %arg3[%dma_wait3A_398, %dma_wait3A_399] : memref<32768x128xi32, #tpu.memory_space<hbm>> -> memref<8x128xi32, #tpu.memory_space<hbm>>
        tpu.wait_dma2 semaphore(%arg22 : memref<!tpu.dma_semaphore, #tpu.memory_space<semaphore_mem>>) src(%dma_wait3A_400 : memref<8x128xi32, #tpu.memory_space<hbm>>) dst(%arg7 : memref<8x128xi32, #tpu.memory_space<vmem>>)
        %dma_wait3A_401 = arith.constant 0 : i32
        %dma_wait3A_402 = arith.constant 0 : i32
        %dma_wait3A_403 = tpu.memref_slice %arg4[%dma_wait3A_401, %dma_wait3A_402] : memref<32768x128xi32, #tpu.memory_space<hbm>> -> memref<8x128xi32, #tpu.memory_space<hbm>>
        %dma_wait3A_404 = arith.constant 0 : i32
        %dma_wait3A_405 = arith.constant 0 : i32
        %dma_wait3A_406 = tpu.memref_slice %arg4[%dma_wait3A_404, %dma_wait3A_405] : memref<32768x128xi32, #tpu.memory_space<hbm>> -> memref<8x128xi32, #tpu.memory_space<hbm>>
        tpu.wait_dma2 semaphore(%arg22 : memref<!tpu.dma_semaphore, #tpu.memory_space<semaphore_mem>>) src(%dma_wait3A_406 : memref<8x128xi32, #tpu.memory_space<hbm>>) dst(%arg11 : memref<8x128xi32, #tpu.memory_space<vmem>>)
        %dma_wait3A_407 = arith.constant 0 : i32
        %dma_wait3A_408 = tpu.memref_slice %arg5[%dma_wait3A_407] : memref<4194304xf32, #tpu.memory_space<hbm>> -> memref<1024xf32, #tpu.memory_space<hbm>>
        %dma_wait3A_409 = arith.constant 0 : i32
        %dma_wait3A_410 = tpu.memref_slice %arg5[%dma_wait3A_409] : memref<4194304xf32, #tpu.memory_space<hbm>> -> memref<1024xf32, #tpu.memory_space<hbm>>
        tpu.wait_dma2 semaphore(%arg22 : memref<!tpu.dma_semaphore, #tpu.memory_space<semaphore_mem>>) src(%dma_wait3A_410 : memref<1024xf32, #tpu.memory_space<hbm>>) dst(%arg15 : memref<1024xf32, #tpu.memory_space<vmem>>)
      } else {
      }
    }
    %scan3A_323 = arith.constant 64 : i32
    %barrier3A_324 = arith.constant 0 : index
    tpu.barrier barrier_id(%barrier3A_324)
    %mul3A_325 = arith.constant 4096 : i32
    %mul3A_326 = arith.muli %arg1, %mul3A_325 : i32
    %mul3A_327 = arith.constant 4096 : i32
    %mul3A_328 = arith.muli %arg1, %mul3A_327 : i32
    "tpu.region"() ({
      %run_scoped3A = tpu.sem_alloc : memref<!tpu.dma_semaphore, #tpu.memory_space<semaphore_mem>>
      %dma_start3A_329 = arith.constant 0 : i32
      %dma_start3A_330 = arith.constant 0 : i32
      %dma_start3A_331 = tpu.memref_slice %arg6[%add3A_158, %dma_start3A_329, %dma_start3A_330] : memref<4x65536x16xf32, #tpu.memory_space<hbm>> -> memref<1x65536x16xf32, #tpu.memory_space<hbm>>
      %dma_start3A_332 = tpu.memref_squeeze %dma_start3A_331 : memref<1x65536x16xf32, #tpu.memory_space<hbm>> -> memref<65536x16xf32, #tpu.memory_space<hbm>>
      %dma_start3A_333 = arith.constant 0 : i32
      %dma_start3A_334 = tpu.memref_slice %dma_start3A_332[%mul3A_328, %dma_start3A_333] : memref<65536x16xf32, #tpu.memory_space<hbm>> -> memref<4096x16xf32, #tpu.memory_space<hbm>>
      %dma_start3A_335 = arith.constant 0 : i32
      %dma_start3A_336 = tpu.memref_slice %arg21[%mul3A_326, %dma_start3A_335] : memref<65536x16xf32, #tpu.memory_space<vmem_shared>> -> memref<4096x16xf32, #tpu.memory_space<vmem_shared>>
      tpu.enqueue_dma source(%dma_start3A_336 : memref<4096x16xf32, #tpu.memory_space<vmem_shared>>) target(%dma_start3A_334 : memref<4096x16xf32, #tpu.memory_space<hbm>>) target_semaphore(%run_scoped3A : memref<!tpu.dma_semaphore, #tpu.memory_space<semaphore_mem>>)
      %dma_wait3A_337 = arith.constant 0 : i32
      %dma_wait3A_338 = arith.constant 0 : i32
      %dma_wait3A_339 = tpu.memref_slice %arg6[%add3A_158, %dma_wait3A_337, %dma_wait3A_338] : memref<4x65536x16xf32, #tpu.memory_space<hbm>> -> memref<1x65536x16xf32, #tpu.memory_space<hbm>>
      %dma_wait3A_340 = tpu.memref_squeeze %dma_wait3A_339 : memref<1x65536x16xf32, #tpu.memory_space<hbm>> -> memref<65536x16xf32, #tpu.memory_space<hbm>>
      %dma_wait3A_341 = arith.constant 0 : i32
      %dma_wait3A_342 = tpu.memref_slice %dma_wait3A_340[%mul3A_328, %dma_wait3A_341] : memref<65536x16xf32, #tpu.memory_space<hbm>> -> memref<4096x16xf32, #tpu.memory_space<hbm>>
      %dma_wait3A_343 = arith.constant 0 : i32
      %dma_wait3A_344 = tpu.memref_slice %arg21[%mul3A_326, %dma_wait3A_343] : memref<65536x16xf32, #tpu.memory_space<vmem_shared>> -> memref<4096x16xf32, #tpu.memory_space<vmem_shared>>
      tpu.wait_dma2 semaphore(%run_scoped3A : memref<!tpu.dma_semaphore, #tpu.memory_space<semaphore_mem>>) src(%dma_wait3A_344 : memref<4096x16xf32, #tpu.memory_space<vmem_shared>>) dst(%dma_wait3A_342 : memref<4096x16xf32, #tpu.memory_space<hbm>>)
      tpu.yield
    }) : () -> ()
    return
  }
}

</mosaic_0001>

<sc_bundles>
// kernel: _unpool.3.cloned.1.call-start
scs
__scs_entry_jumppad:
0x0: {  	(pc) =	sbr.rel $0x88, $3  }
0x1: {  	(tag) =	ssettag $0x0;
	lr =	simm.s32 $0x1  }
0x2: {  	[smem:$0x3F9D] =	sst lr;
	_ =	strace $0xD0000000  }
0x3: {  	_ = 	snop  }
0x4: {  	_ = 	snop  }
0x5: {  	_ = 	snop  }
0x6: {  	_ = 	snop  }
0x7: {  	_ = 	snop  }
__scs_overlays_trampoline_lowered:
0x8: {  	[smem:$0x3FAC] =	sst s0  }
0x9: {  	[smem:$0x3FAD] =	sst s1  }
0xa: {  	[smem:$0x3FAE] =	sst s2  }
0xb: {  	[smem:$0x3FAF] =	sst s3  }
0xc: {  	[smem:$0x3FB0] =	sst s4  }
0xd: {  	[smem:$0x3FB1] =	sst s5  }
0xe: {  	[smem:$0x3FB2] =	sst s6  }
0xf: {  	[smem:$0x3FB3] =	sst s7  }
0x10: {  	[smem:$0x3FB4] =	sst s8  }
0x11: {  	[smem:$0x3FB5] =	sst s9;
	s0 =	simm.s32 @!p0 $0x0  }
0x12: {  	s1 =	sld [smem:$0x3F9B];
	s0 =	simm.s32 @p0 $0x1  }
0x13: {  	[smem:$0x3FB6] =	sst s0;
	s0 =	simm.s32 @!p1 $0x0  }
0x14: {  	s2 =	sld [smem:$0x3F9A];
	s0 =	simm.s32 @p1 $0x1  }
0x15: {  	[smem:$0x3FB7] =	sst s0;
	s0 =	simm.s32 @!p2 $0x0  }
0x16: {  	s3 =	sld [smem:$0x3FDB];
	s0 =	simm.s32 @p2 $0x1  }
0x17: {  	s4 =	simm.s32 $0x1BF5;
	[smem:$0x3FB9] =	sst s0  }
0x18: {  	s0 =	sld [smem:$0x3F9C];
	_ =	swait.ge [sflag:s4], $0x0  }
0x19: {  	s7 =	sld [smem:$0x3F9D]  }
0x1a: {  	s8 =	sadd.s32 $0xFFFFE003, lr  }
0x1b: {  	s9 =	sadd.s32 $0xFFFFFEF7, lr;
	s5 =	simm.s32 $0xFFFFFFFF;
	p2 =	slt.u32 s8, $0xFFFFF086  }
0x1c: {  	p1 =	slt.u32 s9, $0xF7A;
	s5 =	simm.s32 @!p2 $0x0  }
0x1d: {  	s5 =	simm.s32 @p1 $0x1;
	p0 =	seq.s32 s7, s2  }
0x1e: {  	s7 =	smul.u32 @!p0 $0xF7A, s2;
	p2 =	seq.s32 @!p0 s5, $0x0  }
0x1f: {  	s9 =	smul.u32 $0xF7A, s1;
	s8 =	simm.s32 @!p0 $0x1BF5;
	p2 =	por !p2, p0  }
0x20: {  	[sflag:s8] =	ssyncset.s32 @!p0 $0xFFFFF086;
	s6 =	sadd.s32 @!p0 s3, s7;
	s7 =	simm.s32 @!p0 $0x108  }
0x21: {  	s3 =	sadd.s32 s3, s9;
	s6 =	sadd.s32 @!p0 $0x88, s6;
	s7 =	simm.s32 @p2 $0x1082  }
0x22: {  	[simem:s7], [sflag:s8] =	dma.local @!p0 [hbm:s6], $0xF7A  }
0x23: {  	s9 =	sor.u32 $0xD0000000, s2;
	s6 =	simm.s32 $0x108;
	_ =	swait.ge @!p0 [sflag:s8], $0x0  }
0x24: {  	s3 =	sadd.s32 $0x88, s3;
	s6 =	simm.s32 @!p1 $0x1082;
	[sflag:s4] =	ssyncset.s32 $0xFFFFF086  }
0x25: {  	[simem:s6], [sflag:s4] =	dma.local [hbm:s3], $0xF7A  }
0x26: {  	[smem:$0x3F9D] =	sst s1;
	(tag) =	ssettag s2;
	_ =	strace s9  }
0x27: {  	s1 =	sld [smem:$0x3FAD]  }
0x28: {  	s2 =	sld [smem:$0x3FAE]  }
0x29: {  	s4 =	sld [smem:$0x3FB0]  }
0x2a: {  	p0 =	seq.s32 s5, $0x0;
	s5 =	sld [smem:$0x3FB1]  }
0x2b: {  	s6 =	sld [smem:$0x3FB2]  }
0x2c: {  	s7 =	sld [smem:$0x3FB3]  }
0x2d: {  	s3 =	simm.s32 $0x108;
	s8 =	sld [smem:$0x3FB4]  }
0x2e: {  	s3 =	simm.s32 @!p0 $0x1082;
	s9 =	sld [smem:$0x3FB5]  }
0x2f: {  	lr =	sadd.s32 s0, s3;
	s0 =	sld [smem:$0x3FAC]  }
0x30: {  	s3 =	sld [smem:$0x3FAF]  }
0x31: {  	[smem:$0x3FB8] =	sst s10  }
0x32: {  	s10 =	sld [smem:$0x3FB6];
	_ =	sdelay $0x3  }
0x33: {  	p0 =	seq.s32 s10, $0x1;
	s10 =	sld [smem:$0x3FB8];
	_ =	sdelay $0x3  }
0x34: {  	[smem:$0x3FB8] =	sst s10  }
0x35: {  	s10 =	sld [smem:$0x3FB7];
	_ =	sdelay $0x3  }
0x36: {  	p1 =	seq.s32 s10, $0x1;
	s10 =	sld [smem:$0x3FB8];
	_ =	sdelay $0x3  }
0x37: {  	[smem:$0x3FB8] =	sst s10  }
0x38: {  	s10 =	sld [smem:$0x3FB9]  }
0x39: {  	_ = 	snop;
	(pc) =	sbr.ind lr, $3  }
0x3a: {  	_ = 	snop  }
0x3b: {  	_ = 	snop  }
0x3c: {  	p2 =	seq.s32 s10, $0x1;
	s10 =	sld [smem:$0x3FB8]  }
0x3d: {  	_ =	shalt  }
0x3e: {  	_ =	shalt  }
0x3f: {  	_ =	shalt  }
0x40: {  	_ =	shalt  }
0x41: {  	_ =	shalt  }
0x42: {  	_ =	shalt  }
0x43: {  	_ =	shalt  }
0x44: {  	_ =	shalt  }
0x45: {  	_ =	shalt  }
0x46: {  	_ =	shalt  }
0x47: {  	_ =	shalt  }
0x48: {  	_ =	shalt  }
0x49: {  	_ =	shalt  }
0x4a: {  	_ =	shalt  }
0x4b: {  	_ =	shalt  }
0x4c: {  	_ =	shalt  }
0x4d: {  	_ =	shalt  }
0x4e: {  	_ =	shalt  }
0x4f: {  	_ =	shalt  }
0x50: {  	_ =	shalt  }
0x51: {  	_ =	shalt  }
0x52: {  	_ =	shalt  }
0x53: {  	_ =	shalt  }
0x54: {  	_ =	shalt  }
0x55: {  	_ =	shalt  }
0x56: {  	_ =	shalt  }
0x57: {  	_ =	shalt  }
0x58: {  	_ =	shalt  }
0x59: {  	_ =	shalt  }
0x5a: {  	_ =	shalt  }
0x5b: {  	_ =	shalt  }
0x5c: {  	_ =	shalt  }
0x5d: {  	_ =	shalt  }
0x5e: {  	_ =	shalt  }
0x5f: {  	_ =	shalt  }
0x60: {  	_ =	shalt  }
0x61: {  	_ =	shalt  }
0x62: {  	_ =	shalt  }
0x63: {  	_ =	shalt  }
0x64: {  	_ =	shalt  }
0x65: {  	_ =	shalt  }
0x66: {  	_ =	shalt  }
0x67: {  	_ =	shalt  }
0x68: {  	_ =	shalt  }
0x69: {  	_ =	shalt  }
0x6a: {  	_ =	shalt  }
0x6b: {  	_ =	shalt  }
0x6c: {  	_ =	shalt  }
0x6d: {  	_ =	shalt  }
0x6e: {  	_ =	shalt  }
0x6f: {  	_ =	shalt  }
0x70: {  	_ =	shalt  }
0x71: {  	_ =	shalt  }
0x72: {  	_ =	shalt  }
0x73: {  	_ =	shalt  }
0x74: {  	_ =	shalt  }
0x75: {  	_ =	shalt  }
0x76: {  	_ =	shalt  }
0x77: {  	_ =	shalt  }
0x78: {  	_ =	shalt  }
0x79: {  	_ =	shalt  }
0x7a: {  	_ =	shalt  }
0x7b: {  	_ =	shalt  }
0x7c: {  	_ =	shalt  }
0x7d: {  	_ =	shalt  }
0x7e: {  	_ =	shalt  }
0x7f: {  	_ =	shalt  }
0x80: {  	_ =	shalt  }
0x81: {  	_ =	shalt  }
0x82: {  	_ =	shalt  }
0x83: {  	_ =	shalt  }
0x84: {  	_ =	shalt  }
0x85: {  	_ =	shalt  }
0x86: {  	_ =	shalt  }
0x87: {  	_ =	shalt  }
.Lfunc_end0:
.L_simem_size_0:
called_computation_lowered:
.L_overlay_start_0:
0x88: {  	s2 =	sld [smem:$0x3FD9]  }
0x89: {  	s3 =	sld [smem:$0x3FFE];
	_ =	sdelay $0x1  }
0x8a: {  	s1 =	srdreg.scid  }
0x8b: {  	s0 =	sand.u32 $0x1, s1  }
0x8c: {  	s17 =	sshll.u32 s0, $0xA;
	s2 =	sadd.s32 s3, s2  }
0x8d: {  	s2 =	sadd.s32 s2, s17  }
0x8e: {  	[smem:$0x3FC4] =	sst s2  }
0x8f: {  	_ = 	snop  }
0x90: {  	s2 =	sld [smem:$0x3FC8]  }
0x91: {  	s18 =	sld [smem:$0x3FC7]  }
0x92: {  	s4 =	sld [smem:$0x3FC6];
	(tm) =	ssettm $0x1  }
0x93: {  	s5 =	sld [smem:$0x3FFB];
	_ =	sdelay $0x3  }
0x94: {  	_ =	strace s5  }
0x95: {  	s5 =	sld [smem:$0x3FFC];
	_ =	sdelay $0x3  }
0x96: {  	_ =	strace s5  }
0x97: {  	s5 =	sld [smem:$0x3FFD];
	_ =	sdelay $0x3  }
0x98: {  	_ =	strace s5  }
0x99: {  	_ =	strace $0x8FFFFFFF  }
0x9a: {  	s19 =	sld [smem:$0x3FDB];
	_ =	sdelay $0x1  }
0x9b: {  	s6 =	simm.s32 $_scs_section_size  }
0x9c: {  	s7 =	simm.s32 $_size__tile_overlayer_lowered;
	s8 =	simm.s32 $_tile_overlayer_lowered  }
0x9d: {  	s22 =	simm.s32 $0x1BFF;
	s21 =	sshll.u32 s8, $0x1;
	s5 =	sadd.s32 s6, s19  }
0x9e: {  	s9 =	simm.s32 $0x0;
	s20 =	sshll.u32 s7, $0x1;
	s7 =	sadd.s32 s21, s5  }
0x9f: {  	[timem:s9], [sflag:s22] =	dma.local [hbm:s7], s20  }
0xa0: {  	_ =	swait.ge [sflag:s22], s20  }
0xa1: {  	s6 =	ssub.s32 $0x0, s20;
	[sflag:s22] =	ssyncset.done $0x0  }
0xa2: {  	[sflag:s22] =	ssyncadd.s32 s6;
	_ =	sdelay $0x1  }
0xa3: {  	s23 =	simm.s32 $0x1B8B  }
0xa4: {  	_ =	swait.ge [sflag:s23], $0x1  }
0xa5: {  	[sflag:s23] =	ssyncset.done $0x0  }
0xa6: {  	s25 =	simm.s32 $0x1B8E;
	s24 =	sld [smem:$0x3FFE];
	[sflag:s23] =	ssyncadd.s32 $0xFFFFFFFF  }
0xa7: {  	s26 =	simm.s32 $execute0_lowered;
	[smem:$0x3FD2] =	sst s25  }
0xa8: {  	s7 =	sshll.u32 s26, $0x1;
	_ =	strace $0x80000046;
	[dreg:$0x1] =	wrdreg $0xFFFFFFFF  }
0xa9: {  	s28 =	simm.s32 $_size_execute0_lowered;
	s5 =	sadd.s32 s5, s7;
	[dreg:$0x0] =	wrdreg $0x0  }
0xaa: {  	s7 =	sshll.u32 s28, $0x1;
	[dreg:$0x2] =	wrdreg s5  }
0xab: {  	[dreg:$0x3] =	wrdreg s7  }
0xac: {  	[dreg:$0x4] =	wrdreg $0xC0  }
0xad: {  	_ =	task [dreg:s9], $0x5FFFF  }
0xae: {  	[dreg:$0x1] =	wrdreg $0xFFFFFFFF  }
0xaf: {  	[dreg:$0x0] =	wrdreg $0x60  }
0xb0: {  	[dreg:$0x2] =	wrdreg s2  }
0xb1: {  	[dreg:$0x3] =	wrdreg s18  }
0xb2: {  	[dreg:$0x4] =	wrdreg s4  }
0xb3: {  	[dreg:$0x5] =	wrdreg s24  }
0xb4: {  	[dreg:$0x6] =	wrdreg $0x70000  }
0xb5: {  	[dreg:$0x7] =	wrdreg $0x9  }
0xb6: {  	_ =	task.clear_ibuf [dreg:s9], $0x8FFFF;
	_ =	strace $0x90000046  }
0xb7: {  	s29 =	simm.s32 $0x9;
	_ =	strace $0x80000048  }
0xb8: {  	_ =	swait.ge [sflag:s29], $0x1  }
0xb9: {  	[sflag:s29] =	ssyncadd.s32 $0xFFFFFFFF  }
0xba: {  	_ =	strace $0x90000048  }
0xbb: {  	_ =	sfence  }
0xbc: {  	s30 =	sld [smem:$0x0];
	_ =	sdelay $0x2  }
0xbd: {  	s31 =	sshll.u32 s1, $0xD;
	s1 =	sshrl.u32 s1, $0x2  }
0xbe: {  	s3 =	sand.u32 $0x4000, s31;
	s1 =	sadd.s32 s1, s30  }
0xbf: {  	s0 =	sor.u32 s3, s0;
	s1 =	sshll.u32 s1, $0x11  }
0xc0: {  	s0 =	sor.u32 s1, s0  }
0xc1: {  	s0 =	sadd.s32 $0x8F2B, s0  }
0xc2: {  	[sflag:s0] =	ssyncadd.remote.s32 $0x1  }
0xc3: {  	_ =	sfence.sel $0xFFFF  }
0xc4: {  	[dreg:$0x0] =	wrdreg $0xFFFFFFFF;
	(pc) =	sbr.abs _section_cstart, $3  }
0xc5: {  	[dreg:$0x1] =	wrdreg $0xFFFFFFFF  }
0xc6: {  	_ =	task.clear_ibuf [dreg:s9], $0x2FFFF;
	_ =	strace $0x9FFFFFFF  }
0xc7: {  	(tm) =	ssettm $0x7FFFFFFF  }
tec
execute0_lowered:
.L_overlay_start_1:
0x0: {  	(tag) =	ssettag $0x1  }
0x1: {  	s0 =	rddreg [dreg:$0x0]  }
0x2: {  	s2 =	rddreg [dreg:$0x1]  }
0x3: {  	s4 =	rddreg [dreg:$0x2]  }
0x4: {  	s3 =	rddreg [dreg:$0x3]  }
0x5: {  	s5 =	rddreg [dreg:$0x4];
	s1 =	simm.s32 $0x0;
	s6 =	srdreg.scid  }
0x6: {  	s10 =	stileid.u32;
	s28 =	simm.s32 $0x1800;
	s29 =	simm.s32 $0x2800  }
0x7: {  	s30 =	simm.s32 $0x1;
	s31 =	simm.s32 $0xC00;
	[smem:$0x7FF] =	sst s1  }
0x8: {  	s6 =	sand.u32 $0x1, s6;
	s8 =	sshll.u32 s10, $0x10;
	s12 =	sshll.u32 s10, $0xF  }
0x9: {  	s23 =	sshll.u32 s10, $0xD;
	_ =	strace $0x80000047;
	s7 =	sshll.u32 s6, $0x11  }
0xa: {  	s6 =	ssub.s32 $0x2, s6;
	s9 =	sadd.s32 s4, s12;
	s16 =	sadd.s32 s7, s3  }
0xb: {  	s13 =	sshrl.u32 s6, $0x1;
	s3 =	sadd.s32 s8, s5;
	s7 =	sadd.s32 s0, s12  }
0xc: {  	s8 =	sadd.s32 s2, s12;
	s17 =	ssub.s32 s6, s13;
	s5 =	sadd.s32 $0x4000, s3  }
0xd: {  	s14 =	sadd.s32 $0x8000, s3;
	s15 =	sadd.s32 $0xC000, s3;
	[dreg:$0x6] =	wrdreg s5  }
0xe: {  	s13 =	sor.u32 $0x80, s12;
	s22 =	sadd.s32 $0x400, s16;
	[dreg:$0x7] =	wrdreg s14  }
0xf: {  	s24 =	sadd.s32 $0x40400, s16;
	[dreg:$0x8] =	wrdreg s15;
	s18 =	sadd.s32 s0, s13  }
0x10: {  	s19 =	sadd.s32 s2, s13;
	s15 =	sor.u32 $0x100, s12;
	s12 =	sadd.s32 s4, s13  }
0x11: {  	s25 =	smax.u32 s17, $0x1;
	s17 =	simm.s32 $0x3000;
	[dreg:$0x9] =	wrdreg s18  }
0x12: {  	s14 =	simm.s32 $0x1000;
	s26 =	sadd.s32 s23, s24;
	[dreg:$0xa] =	wrdreg s19  }
0x13: {  	s13 =	sadd.s32 s0, s15;
	s20 =	sadd.s32 s2, s15;
	[dreg:$0xd] =	wrdreg s25  }
.Ltmp0:
0x14: {  	s21 =	sadd.s32 s4, s15;
	[dreg:$0xf] =	wrdreg s26;
	(pc) =	sbr.rel .LBB2_1-.Ltmp0, $4  }
0x15: {  	s18 =	simm.s32 $0x5;
	s15 =	simm.s32 $0x2000;
	[dreg:$0xb] =	wrdreg s20  }
0x16: {  	s0 =	sadd.s32 s23, s22;
	s26 =	simm.s32 $0x800;
	[dreg:$0xc] =	wrdreg s21  }
0x17: {  	s2 =	simm.s32 $0x2C00;
	s19 =	simm.s32 $0x2;
	[dreg:$0xe] =	wrdreg s0  }
0x18: {  	v0 =	vimm.f32 $0.0e+00;
	s0 =	simm.s32 $0x1C00;
	s20 =	simm.s32 $0x4;
	s21 =	simm.s32 $0x0  }
.LBB2_11:
0x19: {  	[bflag:$0x0] =	sbarrier.arrive $0xFFFF  }
0x1a: {  	s4 =	rddreg [dreg:$0xf]  }
0x1b: {  	[hbm:s4], [sflag:s16] =	dma.local [spmem:s22], $0x2000  }
0x1c: {  	_ =	swait.ge [sflag:s18], $0x2000  }
0x1d: {  	s21 =	sadd.s32 $0x1, s21;
	s25 =	rddreg [dreg:$0xd]  }
0x1e: {  	p0 =	sne.s32 s21, s25  }
.Ltmp1:
0x1f: {  	_ = 	snop;
	(pc) =	sbr.rel @!p0 .LBB2_12-.Ltmp1, $3  }
0x20: {  	_ =	sdelay $0x1  }
0x21: {  	s12 =	smov.u32 s14;
	s13 =	smov.u32 s15;
	[sflag:s18] =	ssyncset.done $0x0  }
0x22: {  	s14 =	simm.s32 $0x1000;
	s15 =	simm.s32 $0x2000;
	[sflag:s18] =	ssyncadd.s32 $0xFFFFE000  }
.LBB2_1:
0x23: {  	s4 =	simm.s32 $0x40;
	s16 =	simm.s32 $0x0  }
.LBB2_2:
0x24: {  	p0 =	sne.s32 s4, $0xFFC0;
	[tilespmem:s16+$0x3000] =	vst v0;
	s16 =	smov.u32 s4;
	s4 =	sadd.s32 $0x40, s4  }
.Ltmp2:
0x25: {  	(pc) =	sbr.rel @p0 .LBB2_2-.Ltmp2, $2  }
0x26: {  	_ =	sdelay $0x2  }
0x27: {  	s16 =	sshra.s32 s16, $0x2  }
0x28: {  	[tilespmem:s16+$0x3000] =	vst v0  }
0x29: {  	[spmem:s3] =	stream.linear.scatter [tilespmem:s17], [sflag:$0x5], $0x4000, $0x38;
	[tilespmem:$0x17000] =	vst v63  }
0x2a: {  	_ =	swait.ge [sflag:s18], $0x4000  }
0x2b: {  	[sflag:s18] =	ssyncset.done $0x0  }
0x2c: {  	s4 =	rddreg [dreg:$0x6];
	[sflag:s18] =	ssyncadd.s32 $0xFFFFC000  }
0x2d: {  	[spmem:s4] =	stream.linear.scatter [tilespmem:s17], [sflag:$0x5], $0x4000, $0x38;
	[tilespmem:$0x17000] =	vst v63  }
0x2e: {  	_ =	swait.ge [sflag:s18], $0x4000  }
0x2f: {  	[sflag:s18] =	ssyncset.done $0x0  }
0x30: {  	s5 =	rddreg [dreg:$0x7];
	[sflag:s18] =	ssyncadd.s32 $0xFFFFC000  }
0x31: {  	[spmem:s5] =	stream.linear.scatter [tilespmem:s17], [sflag:$0x5], $0x4000, $0x38;
	[tilespmem:$0x17000] =	vst v63  }
0x32: {  	_ =	swait.ge [sflag:s18], $0x4000  }
0x33: {  	[sflag:s18] =	ssyncset.done $0x0  }
0x34: {  	s6 =	rddreg [dreg:$0x8];
	[sflag:s18] =	ssyncadd.s32 $0xFFFFC000  }
0x35: {  	[spmem:s6] =	stream.linear.scatter [tilespmem:s17], [sflag:$0x5], $0x4000, $0x38;
	[tilespmem:$0x17000] =	vst v63  }
0x36: {  	_ =	swait.ge [sflag:s18], $0x4000  }
0x37: {  	[sflag:s18] =	ssyncset.done $0x0  }
0x38: {  	[sflag:s18] =	ssyncadd.s32 $0xFFFFC000  }
0x39: {  	s16 =	simm.s32 $0x0;
	[bflag:$0x0] =	sbarrier.arrive $0xFFFF  }
0x3a: {  	[tilespmem:s16], [sflag:$0x1] =	stream.linear.gather [hbm4b:s7+s16], $0x400, $0x38;
	[tilespmem:$0x17000] =	vst v63  }
0x3b: {  	_ = 	snop  }
0x3c: {  	[tilespmem:s14], [sflag:$0x1] =	stream.linear.gather [hbm4b:s8+s16], $0x400, $0x38;
	[tilespmem:$0x17000] =	vst v63  }
0x3d: {  	_ = 	snop  }
0x3e: {  	[tilespmem:s15], [sflag:$0x1] =	stream.linear.gather [hbm4b:s9+s16], $0x400, $0x38;
	[tilespmem:$0x17000] =	vst v63  }
0x3f: {  	s5 =	simm.s32 $0x400;
	s10 =	rddreg [dreg:$0x9]  }
0x40: {  	[tilespmem:s5], [sflag:$0x2] =	stream.linear.gather [hbm4b:s10+s16], $0x400, $0x38;
	[tilespmem:$0x17000] =	vst v63  }
0x41: {  	s22 =	simm.s32 $0x1400;
	s11 =	rddreg [dreg:$0xa]  }
0x42: {  	[tilespmem:s22], [sflag:$0x2] =	stream.linear.gather [hbm4b:s11+s16], $0x400, $0x38;
	[tilespmem:$0x17000] =	vst v63  }
0x43: {  	s23 =	simm.s32 $0x2400  }
0x44: {  	[tilespmem:s23], [sflag:$0x2] =	stream.linear.gather [hbm4b:s12+s16], $0x400, $0x38;
	[tilespmem:$0x17000] =	vst v63  }
0x45: {  	_ = 	snop  }
0x46: {  	[tilespmem:s26], [sflag:$0x3] =	stream.linear.gather [hbm4b:s13+s16], $0x400, $0x38;
	[tilespmem:$0x17000] =	vst v63  }
0x47: {  	s24 =	rddreg [dreg:$0xb]  }
0x48: {  	[tilespmem:s28], [sflag:$0x3] =	stream.linear.gather [hbm4b:s24+s16], $0x400, $0x38;
	[tilespmem:$0x17000] =	vst v63  }
0x49: {  	s25 =	rddreg [dreg:$0xc]  }
0x4a: {  	[tilespmem:s29], [sflag:$0x3] =	stream.linear.gather [hbm4b:s25+s16], $0x400, $0x38;
	[tilespmem:$0x17000] =	vst v63  }
0x4b: {  	_ =	swait.ge [sflag:s30], $0x400  }
0x4c: {  	[sflag:s30] =	ssyncset.done $0x0  }
0x4d: {  	[sflag:s30] =	ssyncadd.s32 $0xFFFFFC00  }
0x4e: {  	_ =	swait.ge [sflag:s30], $0x400  }
0x4f: {  	[sflag:s30] =	ssyncset.done $0x0  }
0x50: {  	[sflag:s30] =	ssyncadd.s32 $0xFFFFFC00  }
0x51: {  	_ =	swait.ge [sflag:s30], $0x400  }
0x52: {  	[sflag:s30] =	ssyncset.done $0x0  }
0x53: {  	[sflag:s30] =	ssyncadd.s32 $0xFFFFFC00  }
.LBB2_4:
0x54: {  	s22 =	sadd.s32 s16, s7  }
0x55: {  	s23 =	sadd.s32 s16, s8;
	s4 =	sadd.s32 $0x180, s22  }
0x56: {  	[tilespmem:s31], [sflag:$0x4] =	stream.linear.gather [hbm4b:s4+s1], $0x400, $0x38;
	[tilespmem:$0x17000] =	vst v63  }
0x57: {  	s24 =	sadd.s32 $0x180, s23  }
0x58: {  	[tilespmem:s0], [sflag:$0x4] =	stream.linear.gather [hbm4b:s24+s1], $0x400, $0x38;
	[tilespmem:$0x17000] =	vst v63  }
0x59: {  	s24 =	sadd.s32 s16, s9  }
0x5a: {  	s25 =	sadd.s32 $0x180, s24  }
0x5b: {  	[tilespmem:s2], [sflag:$0x4] =	stream.linear.gather [hbm4b:s25+s1], $0x400, $0x38;
	[tilespmem:$0x17000] =	vst v63  }
0x5c: {  	_ =	swait.ge [sflag:s19], $0x400  }
0x5d: {  	[sflag:s19] =	ssyncset.done $0x0  }
0x5e: {  	[sflag:s19] =	ssyncadd.s32 $0xFFFFFC00  }
0x5f: {  	_ =	swait.ge [sflag:s19], $0x400  }
0x60: {  	[sflag:s19] =	ssyncset.done $0x0  }
0x61: {  	[sflag:s19] =	ssyncadd.s32 $0xFFFFFC00  }
0x62: {  	_ =	swait.ge [sflag:s19], $0x400  }
0x63: {  	p0 =	seq.s32 s16, $0x7E00;
	[sflag:s19] =	ssyncset.done $0x0  }
0x64: {  	s4 =	simm.s32 @p0 $0x3;
	[sflag:s19] =	ssyncadd.s32 $0xFFFFFC00  }
0x65: {  	_ =	swait.ge @p0 [sflag:s4], $0x400  }
0x66: {  	[sflag:s4] =	ssyncset.done @p0 $0x0  }
0x67: {  	[sflag:s4] =	ssyncadd.s32 @p0 $0xFFFFFC00  }
0x68: {  	_ =	swait.ge @p0 [sflag:s4], $0x400  }
0x69: {  	[sflag:s4] =	ssyncset.done @p0 $0x0  }
0x6a: {  	[sflag:s4] =	ssyncadd.s32 @p0 $0xFFFFFC00  }
0x6b: {  	_ =	swait.ge @p0 [sflag:s4], $0x400  }
0x6c: {  	s25 =	sadd.s32 @!p0 s16, s7;
	[sflag:s4] =	ssyncset.done @p0 $0x0  }
0x6d: {  	s5 =	simm.s32 @!p0 $0x0;
	[sflag:s4] =	ssyncadd.s32 @p0 $0xFFFFFC00;
	s4 =	sadd.s32 @!p0 $0x200, s25  }
0x6e: {  	[tilespmem:s5], [sflag:$0x1] =	stream.linear.gather @!p0 [hbm4b:s4+s5], $0x400, $0x38;
	[tilespmem:$0x17000] =	vst v63  }
0x6f: {  	s4 =	sadd.s32 @!p0 s16, s8  }
0x70: {  	s10 =	simm.s32 @!p0 $0x1000;
	s6 =	sadd.s32 @!p0 $0x200, s4  }
0x71: {  	[tilespmem:s10], [sflag:$0x1] =	stream.linear.gather @!p0 [hbm4b:s6+s5], $0x400, $0x38;
	[tilespmem:$0x17000] =	vst v63  }
0x72: {  	s6 =	sadd.s32 @!p0 s16, s9  }
0x73: {  	s11 =	simm.s32 @!p0 $0x2000;
	s10 =	sadd.s32 @!p0 $0x200, s6  }
0x74: {  	[tilespmem:s11], [sflag:$0x1] =	stream.linear.gather @!p0 [hbm4b:s10+s5], $0x400, $0x38;
	[tilespmem:$0x17000] =	vst v63  }
0x75: {  	s10 =	simm.s32 @!p0 $0x3  }
0x76: {  	_ =	swait.ge @!p0 [sflag:s10], $0x400  }
0x77: {  	[sflag:s10] =	ssyncset.done @!p0 $0x0  }
0x78: {  	[sflag:s10] =	ssyncadd.s32 @!p0 $0xFFFFFC00  }
0x79: {  	_ =	swait.ge @!p0 [sflag:s10], $0x400  }
0x7a: {  	[sflag:s10] =	ssyncset.done @!p0 $0x0  }
0x7b: {  	[sflag:s10] =	ssyncadd.s32 @!p0 $0xFFFFFC00  }
0x7c: {  	_ =	swait.ge @!p0 [sflag:s10], $0x400  }
0x7d: {  	[sflag:s10] =	ssyncset.done @!p0 $0x0  }
0x7e: {  	s11 =	simm.s32 @!p0 $0x400;
	[sflag:s10] =	ssyncadd.s32 @!p0 $0xFFFFFC00;
	s10 =	sadd.s32 @!p0 $0x280, s25  }
0x7f: {  	[tilespmem:s11], [sflag:$0x2] =	stream.linear.gather @!p0 [hbm4b:s10+s5], $0x400, $0x38;
	[tilespmem:$0x17000] =	vst v63  }
0x80: {  	s4 =	sadd.s32 @!p0 $0x280, s4;
	s10 =	simm.s32 @!p0 $0x1400  }
0x81: {  	[tilespmem:s10], [sflag:$0x2] =	stream.linear.gather @!p0 [hbm4b:s4+s5], $0x400, $0x38;
	[tilespmem:$0x17000] =	vst v63  }
0x82: {  	s4 =	sadd.s32 @!p0 $0x280, s6;
	s6 =	simm.s32 @!p0 $0x2400  }
0x83: {  	[tilespmem:s6], [sflag:$0x2] =	stream.linear.gather @!p0 [hbm4b:s4+s5], $0x400, $0x38;
	[tilespmem:$0x17000] =	vst v63  }
0x84: {  	_ =	swait.ge [sflag:s20], $0x400  }
0x85: {  	[sflag:s20] =	ssyncset.done $0x0  }
0x86: {  	[sflag:s20] =	ssyncadd.s32 $0xFFFFFC00  }
0x87: {  	_ =	swait.ge [sflag:s20], $0x400  }
.Ltmp3:
0x88: {  	[sflag:s20] =	ssyncset.done $0x0;
	(pc) =	sbr.rel @p0 .LBB2_6-.Ltmp3, $4  }
0x89: {  	[sflag:s20] =	ssyncadd.s32 $0xFFFFFC00  }
0x8a: {  	_ =	swait.ge [sflag:s20], $0x400  }
0x8b: {  	[sflag:s20] =	ssyncset.done $0x0  }
0x8c: {  	[sflag:s20] =	ssyncadd.s32 $0xFFFFFC00  }
0x8d: {  	s4 =	sadd.s32 $0x300, s22  }
0x8e: {  	[tilespmem:s26], [sflag:$0x3] =	stream.linear.gather [hbm4b:s4+s1], $0x400, $0x38;
	[tilespmem:$0x17000] =	vst v63  }
0x8f: {  	s23 =	sadd.s32 $0x300, s23  }
0x90: {  	[tilespmem:s28], [sflag:$0x3] =	stream.linear.gather [hbm4b:s23+s1], $0x400, $0x38;
	[tilespmem:$0x17000] =	vst v63  }
0x91: {  	s25 =	sadd.s32 $0x300, s24  }
0x92: {  	[tilespmem:s29], [sflag:$0x3] =	stream.linear.gather [hbm4b:s25+s1], $0x400, $0x38;
	[tilespmem:$0x17000] =	vst v63  }
0x93: {  	_ =	swait.ge [sflag:s30], $0x400  }
0x94: {  	[sflag:s30] =	ssyncset.done $0x0  }
0x95: {  	[sflag:s30] =	ssyncadd.s32 $0xFFFFFC00  }
0x96: {  	_ =	swait.ge [sflag:s30], $0x400  }
.Ltmp4:
0x97: {  	[sflag:s30] =	ssyncset.done $0x0;
	(pc) =	sbr.rel .LBB2_4-.Ltmp4, $4  }
0x98: {  	[sflag:s30] =	ssyncadd.s32 $0xFFFFFC00  }
0x99: {  	_ =	swait.ge [sflag:s30], $0x400  }
0x9a: {  	[sflag:s30] =	ssyncset.done $0x0  }
0x9b: {  	s16 =	sadd.s32 $0x200, s16;
	[sflag:s30] =	ssyncadd.s32 $0xFFFFFC00  }
.LBB2_6:
0x9c: {  	s4 =	stileid.u32  }
0x9d: {  	[bflag:$0x0] =	sbarrier.arrive $0xFFFF;
	s4 =	sshll.u32 s4, $0x6  }
0x9e: {  	s22 =	sshrl.u32 s3, $0x3;
	s25 =	rddreg [dreg:$0xe];
	s16 =	sor.u32 $0x1C05, s4  }
0x9f: {  	[hbm:s25], [sflag:s16] =	dma.local [spmem:s22], $0x2000  }
0xa0: {  	_ =	swait.ge [sflag:s18], $0x2000  }
0xa1: {  	[sflag:s18] =	ssyncset.done $0x0  }
0xa2: {  	s23 =	simm.s32 $0x0;
	s4 =	simm.s32 $0x40;
	[sflag:s18] =	ssyncadd.s32 $0xFFFFE000  }
.LBB2_7:
0xa3: {  	p0 =	sne.s32 s4, $0xFFC0;
	[tilespmem:s23+$0x3000] =	vst v0;
	s5 =	smov.u32 s4;
	s4 =	sadd.s32 $0x40, s4  }
.Ltmp5:
0xa4: {  	(pc) =	sbr.rel @p0 .LBB2_7-.Ltmp5, $2  }
0xa5: {  	_ =	sdelay $0x2  }
0xa6: {  	s23 =	sshra.s32 s5, $0x2  }
0xa7: {  	[tilespmem:s23+$0x3000] =	vst v0  }
0xa8: {  	[spmem:s3] =	stream.linear.scatter [tilespmem:s17], [sflag:$0x5], $0x4000, $0x38;
	[tilespmem:$0x17000] =	vst v63  }
0xa9: {  	_ =	swait.ge [sflag:s18], $0x4000  }
0xaa: {  	[sflag:s18] =	ssyncset.done $0x0  }
0xab: {  	s4 =	rddreg [dreg:$0x6];
	[sflag:s18] =	ssyncadd.s32 $0xFFFFC000  }
0xac: {  	[spmem:s4] =	stream.linear.scatter [tilespmem:s17], [sflag:$0x5], $0x4000, $0x38;
	[tilespmem:$0x17000] =	vst v63  }
0xad: {  	_ =	swait.ge [sflag:s18], $0x4000  }
0xae: {  	[sflag:s18] =	ssyncset.done $0x0  }
0xaf: {  	s5 =	rddreg [dreg:$0x7];
	[sflag:s18] =	ssyncadd.s32 $0xFFFFC000  }
0xb0: {  	[spmem:s5] =	stream.linear.scatter [tilespmem:s17], [sflag:$0x5], $0x4000, $0x38;
	[tilespmem:$0x17000] =	vst v63  }
0xb1: {  	_ =	swait.ge [sflag:s18], $0x4000  }
0xb2: {  	[sflag:s18] =	ssyncset.done $0x0  }
0xb3: {  	s6 =	rddreg [dreg:$0x8];
	[sflag:s18] =	ssyncadd.s32 $0xFFFFC000  }
0xb4: {  	[spmem:s6] =	stream.linear.scatter [tilespmem:s17], [sflag:$0x5], $0x4000, $0x38;
	[tilespmem:$0x17000] =	vst v63  }
0xb5: {  	_ =	swait.ge [sflag:s18], $0x4000  }
0xb6: {  	[sflag:s18] =	ssyncset.done $0x0  }
0xb7: {  	[sflag:s18] =	ssyncadd.s32 $0xFFFFC000  }
0xb8: {  	s25 =	simm.s32 $0x0;
	[bflag:$0x0] =	sbarrier.arrive $0xFFFF  }
0xb9: {  	[tilespmem:s25], [sflag:$0x1] =	stream.linear.gather [hbm4b:s7+s25], $0x400, $0x38;
	[tilespmem:$0x17000] =	vst v63  }
0xba: {  	_ = 	snop  }
0xbb: {  	[tilespmem:s14], [sflag:$0x1] =	stream.linear.gather [hbm4b:s8+s25], $0x400, $0x38;
	[tilespmem:$0x17000] =	vst v63  }
0xbc: {  	_ = 	snop  }
0xbd: {  	[tilespmem:s15], [sflag:$0x1] =	stream.linear.gather [hbm4b:s9+s25], $0x400, $0x38;
	[tilespmem:$0x17000] =	vst v63  }
0xbe: {  	s5 =	simm.s32 $0x400;
	s10 =	rddreg [dreg:$0x9]  }
0xbf: {  	[tilespmem:s5], [sflag:$0x2] =	stream.linear.gather [hbm4b:s10+s25], $0x400, $0x38;
	[tilespmem:$0x17000] =	vst v63  }
0xc0: {  	s11 =	rddreg [dreg:$0xa];
	s14 =	simm.s32 $0x1400  }
0xc1: {  	[tilespmem:s14], [sflag:$0x2] =	stream.linear.gather [hbm4b:s11+s25], $0x400, $0x38;
	[tilespmem:$0x17000] =	vst v63  }
0xc2: {  	s15 =	simm.s32 $0x2400  }
0xc3: {  	[tilespmem:s15], [sflag:$0x2] =	stream.linear.gather [hbm4b:s12+s25], $0x400, $0x38;
	[tilespmem:$0x17000] =	vst v63  }
0xc4: {  	_ = 	snop  }
0xc5: {  	[tilespmem:s26], [sflag:$0x3] =	stream.linear.gather [hbm4b:s13+s25], $0x400, $0x38;
	[tilespmem:$0x17000] =	vst v63  }
0xc6: {  	s23 =	rddreg [dreg:$0xb]  }
0xc7: {  	[tilespmem:s28], [sflag:$0x3] =	stream.linear.gather [hbm4b:s23+s25], $0x400, $0x38;
	[tilespmem:$0x17000] =	vst v63  }
0xc8: {  	s24 =	rddreg [dreg:$0xc]  }
0xc9: {  	[tilespmem:s29], [sflag:$0x3] =	stream.linear.gather [hbm4b:s24+s25], $0x400, $0x38;
	[tilespmem:$0x17000] =	vst v63  }
0xca: {  	_ =	swait.ge [sflag:s30], $0x400  }
0xcb: {  	[sflag:s30] =	ssyncset.done $0x0  }
0xcc: {  	[sflag:s30] =	ssyncadd.s32 $0xFFFFFC00  }
0xcd: {  	_ =	swait.ge [sflag:s30], $0x400  }
0xce: {  	[sflag:s30] =	ssyncset.done $0x0  }
0xcf: {  	[sflag:s30] =	ssyncadd.s32 $0xFFFFFC00  }
0xd0: {  	_ =	swait.ge [sflag:s30], $0x400  }
0xd1: {  	[sflag:s30] =	ssyncset.done $0x0  }
0xd2: {  	s14 =	smov.u32 s12;
	s15 =	smov.u32 s13;
	[sflag:s30] =	ssyncadd.s32 $0xFFFFFC00  }
.LBB2_9:
0xd3: {  	s23 =	sadd.s32 s25, s7  }
0xd4: {  	s24 =	sadd.s32 s25, s8;
	s4 =	sadd.s32 $0x180, s23  }
0xd5: {  	[tilespmem:s31], [sflag:$0x4] =	stream.linear.gather [hbm4b:s4+s1], $0x400, $0x38;
	[tilespmem:$0x17000] =	vst v63  }
0xd6: {  	s13 =	sadd.s32 $0x180, s24;
	s4 =	sadd.s32 s25, s9  }
0xd7: {  	[tilespmem:s0], [sflag:$0x4] =	stream.linear.gather [hbm4b:s13+s1], $0x400, $0x38;
	[tilespmem:$0x17000] =	vst v63  }
0xd8: {  	s5 =	sadd.s32 $0x180, s4  }
0xd9: {  	[tilespmem:s2], [sflag:$0x4] =	stream.linear.gather [hbm4b:s5+s1], $0x400, $0x38;
	[tilespmem:$0x17000] =	vst v63  }
0xda: {  	_ =	swait.ge [sflag:s19], $0x400  }
0xdb: {  	[sflag:s19] =	ssyncset.done $0x0  }
0xdc: {  	[sflag:s19] =	ssyncadd.s32 $0xFFFFFC00  }
0xdd: {  	_ =	swait.ge [sflag:s19], $0x400  }
0xde: {  	[sflag:s19] =	ssyncset.done $0x0  }
0xdf: {  	[sflag:s19] =	ssyncadd.s32 $0xFFFFFC00  }
0xe0: {  	_ =	swait.ge [sflag:s19], $0x400  }
0xe1: {  	p0 =	seq.s32 s25, $0x7E00;
	[sflag:s19] =	ssyncset.done $0x0  }
0xe2: {  	s5 =	simm.s32 @p0 $0x3;
	[sflag:s19] =	ssyncadd.s32 $0xFFFFFC00  }
0xe3: {  	_ =	swait.ge @p0 [sflag:s5], $0x400  }
0xe4: {  	[sflag:s5] =	ssyncset.done @p0 $0x0  }
0xe5: {  	[sflag:s5] =	ssyncadd.s32 @p0 $0xFFFFFC00  }
0xe6: {  	_ =	swait.ge @p0 [sflag:s5], $0x400  }
0xe7: {  	[sflag:s5] =	ssyncset.done @p0 $0x0  }
0xe8: {  	[sflag:s5] =	ssyncadd.s32 @p0 $0xFFFFFC00  }
0xe9: {  	_ =	swait.ge @p0 [sflag:s5], $0x400  }
0xea: {  	s6 =	sadd.s32 @!p0 s25, s7;
	[sflag:s5] =	ssyncset.done @p0 $0x0  }
0xeb: {  	s10 =	simm.s32 @!p0 $0x0;
	[sflag:s5] =	ssyncadd.s32 @p0 $0xFFFFFC00;
	s5 =	sadd.s32 @!p0 $0x200, s6  }
0xec: {  	[tilespmem:s10], [sflag:$0x1] =	stream.linear.gather @!p0 [hbm4b:s5+s10], $0x400, $0x38;
	[tilespmem:$0x17000] =	vst v63  }
0xed: {  	s5 =	sadd.s32 @!p0 s25, s8  }
0xee: {  	s12 =	simm.s32 @!p0 $0x1000;
	s11 =	sadd.s32 @!p0 $0x200, s5  }
0xef: {  	[tilespmem:s12], [sflag:$0x1] =	stream.linear.gather @!p0 [hbm4b:s11+s10], $0x400, $0x38;
	[tilespmem:$0x17000] =	vst v63  }
0xf0: {  	s11 =	sadd.s32 @!p0 s25, s9  }
0xf1: {  	s13 =	simm.s32 @!p0 $0x2000;
	s12 =	sadd.s32 @!p0 $0x200, s11  }
0xf2: {  	[tilespmem:s13], [sflag:$0x1] =	stream.linear.gather @!p0 [hbm4b:s12+s10], $0x400, $0x38;
	[tilespmem:$0x17000] =	vst v63  }
0xf3: {  	s12 =	simm.s32 @!p0 $0x3  }
0xf4: {  	_ =	swait.ge @!p0 [sflag:s12], $0x400  }
0xf5: {  	[sflag:s12] =	ssyncset.done @!p0 $0x0  }
0xf6: {  	[sflag:s12] =	ssyncadd.s32 @!p0 $0xFFFFFC00  }
0xf7: {  	_ =	swait.ge @!p0 [sflag:s12], $0x400  }
0xf8: {  	[sflag:s12] =	ssyncset.done @!p0 $0x0  }
0xf9: {  	[sflag:s12] =	ssyncadd.s32 @!p0 $0xFFFFFC00  }
0xfa: {  	_ =	swait.ge @!p0 [sflag:s12], $0x400  }
0xfb: {  	[sflag:s12] =	ssyncset.done @!p0 $0x0  }
0xfc: {  	s6 =	sadd.s32 @!p0 $0x280, s6;
	[sflag:s12] =	ssyncadd.s32 @!p0 $0xFFFFFC00;
	s12 =	simm.s32 @!p0 $0x400  }
0xfd: {  	[tilespmem:s12], [sflag:$0x2] =	stream.linear.gather @!p0 [hbm4b:s6+s10], $0x400, $0x38;
	[tilespmem:$0x17000] =	vst v63  }
0xfe: {  	s5 =	sadd.s32 @!p0 $0x280, s5;
	s6 =	simm.s32 @!p0 $0x1400  }
0xff: {  	[tilespmem:s6], [sflag:$0x2] =	stream.linear.gather @!p0 [hbm4b:s5+s10], $0x400, $0x38;
	[tilespmem:$0x17000] =	vst v63  }
0x100: {  	s5 =	sadd.s32 @!p0 $0x280, s11;
	s6 =	simm.s32 @!p0 $0x2400  }
0x101: {  	[tilespmem:s6], [sflag:$0x2] =	stream.linear.gather @!p0 [hbm4b:s5+s10], $0x400, $0x38;
	[tilespmem:$0x17000] =	vst v63  }
0x102: {  	_ =	swait.ge [sflag:s20], $0x400  }
0x103: {  	[sflag:s20] =	ssyncset.done $0x0  }
0x104: {  	[sflag:s20] =	ssyncadd.s32 $0xFFFFFC00  }
0x105: {  	_ =	swait.ge [sflag:s20], $0x400  }
.Ltmp6:
0x106: {  	[sflag:s20] =	ssyncset.done $0x0;
	(pc) =	sbr.rel @p0 .LBB2_11-.Ltmp6, $4  }
0x107: {  	[sflag:s20] =	ssyncadd.s32 $0xFFFFFC00  }
0x108: {  	_ =	swait.ge [sflag:s20], $0x400  }
0x109: {  	[sflag:s20] =	ssyncset.done $0x0  }
0x10a: {  	[sflag:s20] =	ssyncadd.s32 $0xFFFFFC00  }
0x10b: {  	s5 =	sadd.s32 $0x300, s23  }
0x10c: {  	[tilespmem:s26], [sflag:$0x3] =	stream.linear.gather [hbm4b:s5+s1], $0x400, $0x38;
	[tilespmem:$0x17000] =	vst v63  }
0x10d: {  	s24 =	sadd.s32 $0x300, s24  }
0x10e: {  	[tilespmem:s28], [sflag:$0x3] =	stream.linear.gather [hbm4b:s24+s1], $0x400, $0x38;
	[tilespmem:$0x17000] =	vst v63  }
0x10f: {  	s4 =	sadd.s32 $0x300, s4  }
0x110: {  	[tilespmem:s29], [sflag:$0x3] =	stream.linear.gather [hbm4b:s4+s1], $0x400, $0x38;
	[tilespmem:$0x17000] =	vst v63  }
0x111: {  	_ =	swait.ge [sflag:s30], $0x400  }
0x112: {  	[sflag:s30] =	ssyncset.done $0x0  }
0x113: {  	[sflag:s30] =	ssyncadd.s32 $0xFFFFFC00  }
0x114: {  	_ =	swait.ge [sflag:s30], $0x400  }
.Ltmp7:
0x115: {  	[sflag:s30] =	ssyncset.done $0x0;
	(pc) =	sbr.rel .LBB2_9-.Ltmp7, $4  }
0x116: {  	[sflag:s30] =	ssyncadd.s32 $0xFFFFFC00  }
0x117: {  	_ =	swait.ge [sflag:s30], $0x400  }
0x118: {  	[sflag:s30] =	ssyncset.done $0x0  }
0x119: {  	s25 =	sadd.s32 $0x200, s25;
	[sflag:s30] =	ssyncadd.s32 $0xFFFFFC00  }
.LBB2_12:
0x11a: {  	_ =	sfence.sel $0x180000  }
0x11b: {  	[bflag:$0x0] =	sbarrier.arrive $0xFFFF  }
0x11c: {  	_ =	strace $0x90000047  }
0x11d: {  	s0 =	stileid.u32;
	[bflag:$0x2] =	sbarrier.arrive $0xFFFF  }
0x11e: {  	p0 =	sne.s32 s0, $0x0;
	s0 =	rddreg [dreg:$0x5]  }
0x11f: {  	s0 =	sadd.s32 @!p0 $0x100000, s0  }
0x120: {  	[sflag:s0] =	ssyncadd.tile.s32 @!p0 $0x1;
	_ =	shalt  }
.Lfunc_end2:
_tile_overlayer_lowered:
.L_overlay_start_2:
0x121: {  	(tag) =	ssettag $0x2  }
0x122: {  	s0 =	rddreg [dreg:$0x0];
	s2 =	stileid.u32  }
0x123: {  	s1 =	rddreg [dreg:$0x1];
	p0 =	sne.s32 s2, $0x0  }
0x124: {  	s3 =	rddreg [dreg:$0x2];
	[bflag:$0x3] =	sbarrier.arrive $0xFFFF;
	s2 =	simm.s32 @!p0 $0x1C05  }
0x125: {  	[timem:s3], [sflag:s2] =	dma.local @!p0 [hbm:s0], s1  }
0x126: {  	s0 =	simm.s32 @!p0 $0x5  }
0x127: {  	_ =	swait.ge @!p0 [sflag:s0], s1  }
0x128: {  	s1 =	ssub.s32 @!p0 $0x0, s1;
	[sflag:s0] =	ssyncset.done @!p0 $0x0  }
0x129: {  	[sflag:s0] =	ssyncadd.s32 @!p0 s1  }
0x12a: {  	[bflag:$0x3] =	sbarrier.arrive $0xFFFF  }
0x12b: {  	_ =	shalt  }

</sc_bundles>
